<compile_context>
chip_gen: v7x
topology: tpu7x:2x2x1
jax: 0.10.2.dev20260603
libtpu: 0.0.44.dev20260713+nightly
codegen_flags: <defaults>
</compile_context>

<pallas_src>
import jax
import jax.numpy as jnp
from jax import lax
from jax.experimental import pallas as pl
from jax.experimental.pallas import tpu as pltpu
from jax.experimental.pallas import tpu_sc as plsc

_VOCAB = 1000
_N = 4096
_K = 20
_NC = 2
_NS = 16
_NW = _NC * _NS
_RPW = _N // _NW
_CH = 4
_NCHUNK = _RPW // _CH
_EPC = _CH * _K


def _sc_body(x_hbm, out_hbm, idx_v, buf):
    wid = lax.axis_index("s") * _NC + lax.axis_index("c")
    base_elem = wid * _RPW * _K
    base_row = wid * _RPW

    pltpu.sync_copy(x_hbm.at[pl.ds(base_elem, _RPW * _K)], idx_v)

    zeros16 = jnp.zeros((16,), jnp.float32)
    ones16 = jnp.ones((16,), jnp.float32)

    def _zero_rk(e, carry):
        r = e // _K
        k = lax.rem(e, _K)
        for j in range(63):
            start = min(j * 16, _VOCAB - 16)
            buf[r, k, pl.ds(start, 16)] = zeros16
        return carry

    lax.fori_loop(0, _CH * _K, _zero_rk, 0)

    def _chunk(c, carry):
        saved = []
        for g in range(_EPC // 16):
            e = g * 16 + lax.iota(jnp.int32, 16)
            r_loc = jnp.zeros((16,), jnp.int32)
            for t in range(_K, g * 16 + 16, _K):
                r_loc = r_loc + (e >= t).astype(jnp.int32)
            k = e - r_loc * _K
            v = idx_v[pl.ds(c * _EPC + g * 16, 16)]
            plsc.store_scatter(buf, [r_loc, k, v], ones16)
            saved.append((r_loc, k, v))
        pltpu.sync_copy(buf, out_hbm.at[pl.ds(base_row + c * _CH, _CH)])
        for r_loc, k, v in saved:
            plsc.store_scatter(buf, [r_loc, k, v], zeros16)
        return carry

    lax.fori_loop(0, _NCHUNK, _chunk, 0)


def kernel(x):
    xf = x.reshape(_N * _K).astype(jnp.int32)
    mesh = plsc.VectorSubcoreMesh(core_axis_name="c", subcore_axis_name="s")
    f = pl.kernel(
        _sc_body,
        out_type=jax.ShapeDtypeStruct((_N, _K, _VOCAB), jnp.float32),
        mesh=mesh,
        scratch_types=[
            pltpu.VMEM((_RPW * _K,), jnp.int32),
            pltpu.VMEM((_CH, _K, _VOCAB), jnp.float32),
        ],
        compiler_params=pltpu.CompilerParams(
            needs_layout_passes=False, use_tc_tiling_on_sc=True
        ),
    )
    return f(xf)

# --- scband reference (transcript-rebuilt; emitter-appended) ---
"""Pipeline reference for scband-one-hot-vectorizer-59287728554055 (READ-ONLY COPY).

The authoritative reference and input builder live on the scoring server;
editing this copy changes nothing except your own understanding.
"""

import jax, jax.numpy as jnp
import numpy as np

VOCAB_SIZE = 1000

def setup_inputs(seed: int = 0) -> dict:
    key = jax.random.key(seed)
    x = jax.random.randint(key, (4096, 20), 0, VOCAB_SIZE, dtype=jnp.int64 if jax.config.jax_enable_x64 else jnp.int32)
    return {"x": x}

def reference(x):
    # torch.nn.functional.one_hot(x, vocab_size).float()
    return jax.nn.one_hot(x, VOCAB_SIZE, dtype=jnp.float32)

if __name__ == "__main__":
    import jax
    _d = setup_inputs()
    print(jax.jit(kernel)(*tuple(_d.values())))

</pallas_src>

<mosaic_0001>
#map = affine_map<(d0, d1) -> (0)>
#map1 = affine_map<(d0, d1) -> (0, 0, 0)>
module attributes {stable_mosaic.version = 14 : i64} {
  func.func @_sc_body(%arg0: i32, %arg1: i32, %arg2: memref<81920xi32, #tpu.memory_space<hbm>>, %arg3: memref<4096x20x1000xf32, #tpu.memory_space<hbm>>, %arg4: memref<2560xi32, #tpu.memory_space<vmem>>, %arg5: memref<4x20x1000xf32, #tpu.memory_space<vmem>>) attributes {dimension_semantics = [#tpu.dimension_semantics<core_parallel>, #tpu.dimension_semantics<subcore_parallel>], iteration_bounds = array<i64: 2, 16>, scalar_prefetch = 0 : i64, scratch_operands = 2 : i64, tpu.core_type = #tpu.core_type<sc_vector_subcore>, window_params = [{transform_indices = #map}, {transform_indices = #map1}]} {
    %mul3A = arith.constant 2 : i32
    %mul3A_0 = arith.muli %arg1, %mul3A : i32
    %add3A = arith.addi %mul3A_0, %arg0 : i32
    %mul3A_1 = arith.constant 128 : i32
    %mul3A_2 = arith.muli %add3A, %mul3A_1 : i32
    %mul3A_3 = arith.constant 20 : i32
    %mul3A_4 = arith.muli %mul3A_2, %mul3A_3 : i32
    %mul3A_5 = arith.constant 128 : i32
    %mul3A_6 = arith.muli %add3A, %mul3A_5 : i32
    "tpu.region"() ({
      %run_scoped3A = tpu.sem_alloc : memref<!tpu.dma_semaphore, #tpu.memory_space<semaphore_mem>>
      %dma_start3A = tpu.memref_slice %arg2[%mul3A_4] : memref<81920xi32, #tpu.memory_space<hbm>> -> memref<2560xi32, #tpu.memory_space<hbm>>
      %dma_start3A_21 = tpu.memref_slice %arg2[%mul3A_4] : memref<81920xi32, #tpu.memory_space<hbm>> -> memref<2560xi32, #tpu.memory_space<hbm>>
      tpu.enqueue_dma source(%dma_start3A_21 : memref<2560xi32, #tpu.memory_space<hbm>>) target(%arg4 : memref<2560xi32, #tpu.memory_space<vmem>>) target_semaphore(%run_scoped3A : memref<!tpu.dma_semaphore, #tpu.memory_space<semaphore_mem>>)
      %dma_wait3A = tpu.memref_slice %arg2[%mul3A_4] : memref<81920xi32, #tpu.memory_space<hbm>> -> memref<2560xi32, #tpu.memory_space<hbm>>
      %dma_wait3A_22 = tpu.memref_slice %arg2[%mul3A_4] : memref<81920xi32, #tpu.memory_space<hbm>> -> memref<2560xi32, #tpu.memory_space<hbm>>
      tpu.wait_dma2 semaphore(%run_scoped3A : memref<!tpu.dma_semaphore, #tpu.memory_space<semaphore_mem>>) src(%dma_wait3A_22 : memref<2560xi32, #tpu.memory_space<hbm>>) dst(%arg4 : memref<2560xi32, #tpu.memory_space<vmem>>)
      tpu.yield
    }) : () -> ()
    %broadcast_in_dim3A = arith.constant 0.000000e+00 : f32
    %broadcast_in_dim3A_7 = vector.broadcast %broadcast_in_dim3A : f32 to vector<16xf32>
    %broadcast_in_dim3A_8 = arith.constant 1.000000e+00 : f32
    %broadcast_in_dim3A_9 = vector.broadcast %broadcast_in_dim3A_8 : f32 to vector<16xf32>
    %scan3A = arith.constant 0 : i32
    %scan3A_10 = arith.constant 0 : i32
    %scan3A_11 = arith.constant 80 : i32
    %scan3A_12 = arith.addi %scan3A_10, %scan3A_11 : i32
    %scan3A_13 = arith.constant 1 : i32
    scf.for %scan3A_21 = %scan3A_10 to %scan3A_12 step %scan3A_13  : i32 {
      %jit3A = arith.constant 20 : i32
      %div3A = arith.divsi %scan3A_21, %jit3A : i32
      %sign3A = arith.constant 0 : i32
      %sign3A_22 = arith.cmpi sgt, %scan3A_21, %sign3A : i32
      %sign3A_23 = arith.extui %sign3A_22 : i1 to i32
      %sign3A_24 = arith.constant 0 : i32
      %sign3A_25 = arith.cmpi slt, %scan3A_21, %sign3A_24 : i32
      %sign3A_26 = arith.extui %sign3A_25 : i1 to i32
      %sign3A_27 = arith.subi %sign3A_23, %sign3A_26 : i32
      %sign3A_28 = arith.constant 0 : i32
      %sign3A_29 = arith.cmpi sgt, %jit3A, %sign3A_28 : i32
      %sign3A_30 = arith.extui %sign3A_29 : i1 to i32
      %sign3A_31 = arith.constant 0 : i32
      %sign3A_32 = arith.cmpi slt, %jit3A, %sign3A_31 : i32
      %sign3A_33 = arith.extui %sign3A_32 : i1 to i32
      %sign3A_34 = arith.subi %sign3A_30, %sign3A_33 : i32
      %ne3A = arith.cmpi ne, %sign3A_27, %sign3A_34 : i32
      %rem3A = arith.remsi %scan3A_21, %jit3A : i32
      %ne3A_35 = arith.constant 0 : i32
      %ne3A_36 = arith.cmpi ne, %rem3A, %ne3A_35 : i32
      %and3A = arith.andi %ne3A, %ne3A_36 : i1
      %sub3A = arith.constant 1 : i32
      %sub3A_37 = arith.subi %div3A, %sub3A : i32
      %select_n3A = arith.select %and3A, %sub3A_37, %div3A : i32
      %rem3A_38 = arith.constant 20 : i32
      %rem3A_39 = arith.remsi %scan3A_21, %rem3A_38 : i32
      %swap3A = arith.index_cast %select_n3A : i32 to index
      %swap3A_40 = arith.index_cast %rem3A_39 : i32 to index
      %swap3A_41 = arith.constant 0 : index
      %swap3A_42 = tpu.vector_load %arg5[%swap3A, %swap3A_40, %swap3A_41] {strides = array<i32>} : memref<4x20x1000xf32, #tpu.memory_space<vmem>>, vector<16xf32>,
      tpu.vector_store %arg5[%swap3A, %swap3A_40, %swap3A_41], %broadcast_in_dim3A_7 {strides = array<i32>} : memref<4x20x1000xf32, #tpu.memory_space<vmem>>, vector<16xf32>,
      %swap3A_43 = arith.index_cast %select_n3A : i32 to index
      %swap3A_44 = arith.index_cast %rem3A_39 : i32 to index
      %swap3A_45 = arith.constant 16 : index
      %swap3A_46 = tpu.vector_load %arg5[%swap3A_43, %swap3A_44, %swap3A_45] {strides = array<i32>} : memref<4x20x1000xf32, #tpu.memory_space<vmem>>, vector<16xf32>,
      tpu.vector_store %arg5[%swap3A_43, %swap3A_44, %swap3A_45], %broadcast_in_dim3A_7 {strides = array<i32>} : memref<4x20x1000xf32, #tpu.memory_space<vmem>>, vector<16xf32>,
      %swap3A_47 = arith.index_cast %select_n3A : i32 to index
      %swap3A_48 = arith.index_cast %rem3A_39 : i32 to index
      %swap3A_49 = arith.constant 32 : index
      %swap3A_50 = tpu.vector_load %arg5[%swap3A_47, %swap3A_48, %swap3A_49] {strides = array<i32>} : memref<4x20x1000xf32, #tpu.memory_space<vmem>>, vector<16xf32>,
      tpu.vector_store %arg5[%swap3A_47, %swap3A_48, %swap3A_49], %broadcast_in_dim3A_7 {strides = array<i32>} : memref<4x20x1000xf32, #tpu.memory_space<vmem>>, vector<16xf32>,
      %swap3A_51 = arith.index_cast %select_n3A : i32 to index
      %swap3A_52 = arith.index_cast %rem3A_39 : i32 to index
      %swap3A_53 = arith.constant 48 : index
      %swap3A_54 = tpu.vector_load %arg5[%swap3A_51, %swap3A_52, %swap3A_53] {strides = array<i32>} : memref<4x20x1000xf32, #tpu.memory_space<vmem>>, vector<16xf32>,
      tpu.vector_store %arg5[%swap3A_51, %swap3A_52, %swap3A_53], %broadcast_in_dim3A_7 {strides = array<i32>} : memref<4x20x1000xf32, #tpu.memory_space<vmem>>, vector<16xf32>,
      %swap3A_55 = arith.index_cast %select_n3A : i32 to index
      %swap3A_56 = arith.index_cast %rem3A_39 : i32 to index
      %swap3A_57 = arith.constant 64 : index
      %swap3A_58 = tpu.vector_load %arg5[%swap3A_55, %swap3A_56, %swap3A_57] {strides = array<i32>} : memref<4x20x1000xf32, #tpu.memory_space<vmem>>, vector<16xf32>,
      tpu.vector_store %arg5[%swap3A_55, %swap3A_56, %swap3A_57], %broadcast_in_dim3A_7 {strides = array<i32>} : memref<4x20x1000xf32, #tpu.memory_space<vmem>>, vector<16xf32>,
      %swap3A_59 = arith.index_cast %select_n3A : i32 to index
      %swap3A_60 = arith.index_cast %rem3A_39 : i32 to index
      %swap3A_61 = arith.constant 80 : index
      %swap3A_62 = tpu.vector_load %arg5[%swap3A_59, %swap3A_60, %swap3A_61] {strides = array<i32>} : memref<4x20x1000xf32, #tpu.memory_space<vmem>>, vector<16xf32>,
      tpu.vector_store %arg5[%swap3A_59, %swap3A_60, %swap3A_61], %broadcast_in_dim3A_7 {strides = array<i32>} : memref<4x20x1000xf32, #tpu.memory_space<vmem>>, vector<16xf32>,
      %swap3A_63 = arith.index_cast %select_n3A : i32 to index
      %swap3A_64 = arith.index_cast %rem3A_39 : i32 to index
      %swap3A_65 = arith.constant 96 : index
      %swap3A_66 = tpu.vector_load %arg5[%swap3A_63, %swap3A_64, %swap3A_65] {strides = array<i32>} : memref<4x20x1000xf32, #tpu.memory_space<vmem>>, vector<16xf32>,
      tpu.vector_store %arg5[%swap3A_63, %swap3A_64, %swap3A_65], %broadcast_in_dim3A_7 {strides = array<i32>} : memref<4x20x1000xf32, #tpu.memory_space<vmem>>, vector<16xf32>,
      %swap3A_67 = arith.index_cast %select_n3A : i32 to index
      %swap3A_68 = arith.index_cast %rem3A_39 : i32 to index
      %swap3A_69 = arith.constant 112 : index
      %swap3A_70 = tpu.vector_load %arg5[%swap3A_67, %swap3A_68, %swap3A_69] {strides = array<i32>} : memref<4x20x1000xf32, #tpu.memory_space<vmem>>, vector<16xf32>,
      tpu.vector_store %arg5[%swap3A_67, %swap3A_68, %swap3A_69], %broadcast_in_dim3A_7 {strides = array<i32>} : memref<4x20x1000xf32, #tpu.memory_space<vmem>>, vector<16xf32>,
      %swap3A_71 = arith.index_cast %select_n3A : i32 to index
      %swap3A_72 = arith.index_cast %rem3A_39 : i32 to index
      %swap3A_73 = arith.constant 128 : index
      %swap3A_74 = tpu.vector_load %arg5[%swap3A_71, %swap3A_72, %swap3A_73] {strides = array<i32>} : memref<4x20x1000xf32, #tpu.memory_space<vmem>>, vector<16xf32>,
      tpu.vector_store %arg5[%swap3A_71, %swap3A_72, %swap3A_73], %broadcast_in_dim3A_7 {strides = array<i32>} : memref<4x20x1000xf32, #tpu.memory_space<vmem>>, vector<16xf32>,
      %swap3A_75 = arith.index_cast %select_n3A : i32 to index
      %swap3A_76 = arith.index_cast %rem3A_39 : i32 to index
      %swap3A_77 = arith.constant 144 : index
      %swap3A_78 = tpu.vector_load %arg5[%swap3A_75, %swap3A_76, %swap3A_77] {strides = array<i32>} : memref<4x20x1000xf32, #tpu.memory_space<vmem>>, vector<16xf32>,
      tpu.vector_store %arg5[%swap3A_75, %swap3A_76, %swap3A_77], %broadcast_in_dim3A_7 {strides = array<i32>} : memref<4x20x1000xf32, #tpu.memory_space<vmem>>, vector<16xf32>,
      %swap3A_79 = arith.index_cast %select_n3A : i32 to index
      %swap3A_80 = arith.index_cast %rem3A_39 : i32 to index
      %swap3A_81 = arith.constant 160 : index
      %swap3A_82 = tpu.vector_load %arg5[%swap3A_79, %swap3A_80, %swap3A_81] {strides = array<i32>} : memref<4x20x1000xf32, #tpu.memory_space<vmem>>, vector<16xf32>,
      tpu.vector_store %arg5[%swap3A_79, %swap3A_80, %swap3A_81], %broadcast_in_dim3A_7 {strides = array<i32>} : memref<4x20x1000xf32, #tpu.memory_space<vmem>>, vector<16xf32>,
      %swap3A_83 = arith.index_cast %select_n3A : i32 to index
      %swap3A_84 = arith.index_cast %rem3A_39 : i32 to index
      %swap3A_85 = arith.constant 176 : index
      %swap3A_86 = tpu.vector_load %arg5[%swap3A_83, %swap3A_84, %swap3A_85] {strides = array<i32>} : memref<4x20x1000xf32, #tpu.memory_space<vmem>>, vector<16xf32>,
      tpu.vector_store %arg5[%swap3A_83, %swap3A_84, %swap3A_85], %broadcast_in_dim3A_7 {strides = array<i32>} : memref<4x20x1000xf32, #tpu.memory_space<vmem>>, vector<16xf32>,
      %swap3A_87 = arith.index_cast %select_n3A : i32 to index
      %swap3A_88 = arith.index_cast %rem3A_39 : i32 to index
      %swap3A_89 = arith.constant 192 : index
      %swap3A_90 = tpu.vector_load %arg5[%swap3A_87, %swap3A_88, %swap3A_89] {strides = array<i32>} : memref<4x20x1000xf32, #tpu.memory_space<vmem>>, vector<16xf32>,
      tpu.vector_store %arg5[%swap3A_87, %swap3A_88, %swap3A_89], %broadcast_in_dim3A_7 {strides = array<i32>} : memref<4x20x1000xf32, #tpu.memory_space<vmem>>, vector<16xf32>,
      %swap3A_91 = arith.index_cast %select_n3A : i32 to index
      %swap3A_92 = arith.index_cast %rem3A_39 : i32 to index
      %swap3A_93 = arith.constant 208 : index
      %swap3A_94 = tpu.vector_load %arg5[%swap3A_91, %swap3A_92, %swap3A_93] {strides = array<i32>} : memref<4x20x1000xf32, #tpu.memory_space<vmem>>, vector<16xf32>,
      tpu.vector_store %arg5[%swap3A_91, %swap3A_92, %swap3A_93], %broadcast_in_dim3A_7 {strides = array<i32>} : memref<4x20x1000xf32, #tpu.memory_space<vmem>>, vector<16xf32>,
      %swap3A_95 = arith.index_cast %select_n3A : i32 to index
      %swap3A_96 = arith.index_cast %rem3A_39 : i32 to index
      %swap3A_97 = arith.constant 224 : index
      %swap3A_98 = tpu.vector_load %arg5[%swap3A_95, %swap3A_96, %swap3A_97] {strides = array<i32>} : memref<4x20x1000xf32, #tpu.memory_space<vmem>>, vector<16xf32>,
      tpu.vector_store %arg5[%swap3A_95, %swap3A_96, %swap3A_97], %broadcast_in_dim3A_7 {strides = array<i32>} : memref<4x20x1000xf32, #tpu.memory_space<vmem>>, vector<16xf32>,
      %swap3A_99 = arith.index_cast %select_n3A : i32 to index
      %swap3A_100 = arith.index_cast %rem3A_39 : i32 to index
      %swap3A_101 = arith.constant 240 : index
      %swap3A_102 = tpu.vector_load %arg5[%swap3A_99, %swap3A_100, %swap3A_101] {strides = array<i32>} : memref<4x20x1000xf32, #tpu.memory_space<vmem>>, vector<16xf32>,
      tpu.vector_store %arg5[%swap3A_99, %swap3A_100, %swap3A_101], %broadcast_in_dim3A_7 {strides = array<i32>} : memref<4x20x1000xf32, #tpu.memory_space<vmem>>, vector<16xf32>,
      %swap3A_103 = arith.index_cast %select_n3A : i32 to index
      %swap3A_104 = arith.index_cast %rem3A_39 : i32 to index
      %swap3A_105 = arith.constant 256 : index
      %swap3A_106 = tpu.vector_load %arg5[%swap3A_103, %swap3A_104, %swap3A_105] {strides = array<i32>} : memref<4x20x1000xf32, #tpu.memory_space<vmem>>, vector<16xf32>,
      tpu.vector_store %arg5[%swap3A_103, %swap3A_104, %swap3A_105], %broadcast_in_dim3A_7 {strides = array<i32>} : memref<4x20x1000xf32, #tpu.memory_space<vmem>>, vector<16xf32>,
      %swap3A_107 = arith.index_cast %select_n3A : i32 to index
      %swap3A_108 = arith.index_cast %rem3A_39 : i32 to index
      %swap3A_109 = arith.constant 272 : index
      %swap3A_110 = tpu.vector_load %arg5[%swap3A_107, %swap3A_108, %swap3A_109] {strides = array<i32>} : memref<4x20x1000xf32, #tpu.memory_space<vmem>>, vector<16xf32>,
      tpu.vector_store %arg5[%swap3A_107, %swap3A_108, %swap3A_109], %broadcast_in_dim3A_7 {strides = array<i32>} : memref<4x20x1000xf32, #tpu.memory_space<vmem>>, vector<16xf32>,
      %swap3A_111 = arith.index_cast %select_n3A : i32 to index
      %swap3A_112 = arith.index_cast %rem3A_39 : i32 to index
      %swap3A_113 = arith.constant 288 : index
      %swap3A_114 = tpu.vector_load %arg5[%swap3A_111, %swap3A_112, %swap3A_113] {strides = array<i32>} : memref<4x20x1000xf32, #tpu.memory_space<vmem>>, vector<16xf32>,
      tpu.vector_store %arg5[%swap3A_111, %swap3A_112, %swap3A_113], %broadcast_in_dim3A_7 {strides = array<i32>} : memref<4x20x1000xf32, #tpu.memory_space<vmem>>, vector<16xf32>,
      %swap3A_115 = arith.index_cast %select_n3A : i32 to index
      %swap3A_116 = arith.index_cast %rem3A_39 : i32 to index
      %swap3A_117 = arith.constant 304 : index
      %swap3A_118 = tpu.vector_load %arg5[%swap3A_115, %swap3A_116, %swap3A_117] {strides = array<i32>} : memref<4x20x1000xf32, #tpu.memory_space<vmem>>, vector<16xf32>,
      tpu.vector_store %arg5[%swap3A_115, %swap3A_116, %swap3A_117], %broadcast_in_dim3A_7 {strides = array<i32>} : memref<4x20x1000xf32, #tpu.memory_space<vmem>>, vector<16xf32>,
      %swap3A_119 = arith.index_cast %select_n3A : i32 to index
      %swap3A_120 = arith.index_cast %rem3A_39 : i32 to index
      %swap3A_121 = arith.constant 320 : index
      %swap3A_122 = tpu.vector_load %arg5[%swap3A_119, %swap3A_120, %swap3A_121] {strides = array<i32>} : memref<4x20x1000xf32, #tpu.memory_space<vmem>>, vector<16xf32>,
      tpu.vector_store %arg5[%swap3A_119, %swap3A_120, %swap3A_121], %broadcast_in_dim3A_7 {strides = array<i32>} : memref<4x20x1000xf32, #tpu.memory_space<vmem>>, vector<16xf32>,
      %swap3A_123 = arith.index_cast %select_n3A : i32 to index
      %swap3A_124 = arith.index_cast %rem3A_39 : i32 to index
      %swap3A_125 = arith.constant 336 : index
      %swap3A_126 = tpu.vector_load %arg5[%swap3A_123, %swap3A_124, %swap3A_125] {strides = array<i32>} : memref<4x20x1000xf32, #tpu.memory_space<vmem>>, vector<16xf32>,
      tpu.vector_store %arg5[%swap3A_123, %swap3A_124, %swap3A_125], %broadcast_in_dim3A_7 {strides = array<i32>} : memref<4x20x1000xf32, #tpu.memory_space<vmem>>, vector<16xf32>,
      %swap3A_127 = arith.index_cast %select_n3A : i32 to index
      %swap3A_128 = arith.index_cast %rem3A_39 : i32 to index
      %swap3A_129 = arith.constant 352 : index
      %swap3A_130 = tpu.vector_load %arg5[%swap3A_127, %swap3A_128, %swap3A_129] {strides = array<i32>} : memref<4x20x1000xf32, #tpu.memory_space<vmem>>, vector<16xf32>,
      tpu.vector_store %arg5[%swap3A_127, %swap3A_128, %swap3A_129], %broadcast_in_dim3A_7 {strides = array<i32>} : memref<4x20x1000xf32, #tpu.memory_space<vmem>>, vector<16xf32>,
      %swap3A_131 = arith.index_cast %select_n3A : i32 to index
      %swap3A_132 = arith.index_cast %rem3A_39 : i32 to index
      %swap3A_133 = arith.constant 368 : index
      %swap3A_134 = tpu.vector_load %arg5[%swap3A_131, %swap3A_132, %swap3A_133] {strides = array<i32>} : memref<4x20x1000xf32, #tpu.memory_space<vmem>>, vector<16xf32>,
      tpu.vector_store %arg5[%swap3A_131, %swap3A_132, %swap3A_133], %broadcast_in_dim3A_7 {strides = array<i32>} : memref<4x20x1000xf32, #tpu.memory_space<vmem>>, vector<16xf32>,
      %swap3A_135 = arith.index_cast %select_n3A : i32 to index
      %swap3A_136 = arith.index_cast %rem3A_39 : i32 to index
      %swap3A_137 = arith.constant 384 : index
      %swap3A_138 = tpu.vector_load %arg5[%swap3A_135, %swap3A_136, %swap3A_137] {strides = array<i32>} : memref<4x20x1000xf32, #tpu.memory_space<vmem>>, vector<16xf32>,
      tpu.vector_store %arg5[%swap3A_135, %swap3A_136, %swap3A_137], %broadcast_in_dim3A_7 {strides = array<i32>} : memref<4x20x1000xf32, #tpu.memory_space<vmem>>, vector<16xf32>,
      %swap3A_139 = arith.index_cast %select_n3A : i32 to index
      %swap3A_140 = arith.index_cast %rem3A_39 : i32 to index
      %swap3A_141 = arith.constant 400 : index
      %swap3A_142 = tpu.vector_load %arg5[%swap3A_139, %swap3A_140, %swap3A_141] {strides = array<i32>} : memref<4x20x1000xf32, #tpu.memory_space<vmem>>, vector<16xf32>,
      tpu.vector_store %arg5[%swap3A_139, %swap3A_140, %swap3A_141], %broadcast_in_dim3A_7 {strides = array<i32>} : memref<4x20x1000xf32, #tpu.memory_space<vmem>>, vector<16xf32>,
      %swap3A_143 = arith.index_cast %select_n3A : i32 to index
      %swap3A_144 = arith.index_cast %rem3A_39 : i32 to index
      %swap3A_145 = arith.constant 416 : index
      %swap3A_146 = tpu.vector_load %arg5[%swap3A_143, %swap3A_144, %swap3A_145] {strides = array<i32>} : memref<4x20x1000xf32, #tpu.memory_space<vmem>>, vector<16xf32>,
      tpu.vector_store %arg5[%swap3A_143, %swap3A_144, %swap3A_145], %broadcast_in_dim3A_7 {strides = array<i32>} : memref<4x20x1000xf32, #tpu.memory_space<vmem>>, vector<16xf32>,
      %swap3A_147 = arith.index_cast %select_n3A : i32 to index
      %swap3A_148 = arith.index_cast %rem3A_39 : i32 to index
      %swap3A_149 = arith.constant 432 : index
      %swap3A_150 = tpu.vector_load %arg5[%swap3A_147, %swap3A_148, %swap3A_149] {strides = array<i32>} : memref<4x20x1000xf32, #tpu.memory_space<vmem>>, vector<16xf32>,
      tpu.vector_store %arg5[%swap3A_147, %swap3A_148, %swap3A_149], %broadcast_in_dim3A_7 {strides = array<i32>} : memref<4x20x1000xf32, #tpu.memory_space<vmem>>, vector<16xf32>,
      %swap3A_151 = arith.index_cast %select_n3A : i32 to index
      %swap3A_152 = arith.index_cast %rem3A_39 : i32 to index
      %swap3A_153 = arith.constant 448 : index
      %swap3A_154 = tpu.vector_load %arg5[%swap3A_151, %swap3A_152, %swap3A_153] {strides = array<i32>} : memref<4x20x1000xf32, #tpu.memory_space<vmem>>, vector<16xf32>,
      tpu.vector_store %arg5[%swap3A_151, %swap3A_152, %swap3A_153], %broadcast_in_dim3A_7 {strides = array<i32>} : memref<4x20x1000xf32, #tpu.memory_space<vmem>>, vector<16xf32>,
      %swap3A_155 = arith.index_cast %select_n3A : i32 to index
      %swap3A_156 = arith.index_cast %rem3A_39 : i32 to index
      %swap3A_157 = arith.constant 464 : index
      %swap3A_158 = tpu.vector_load %arg5[%swap3A_155, %swap3A_156, %swap3A_157] {strides = array<i32>} : memref<4x20x1000xf32, #tpu.memory_space<vmem>>, vector<16xf32>,
      tpu.vector_store %arg5[%swap3A_155, %swap3A_156, %swap3A_157], %broadcast_in_dim3A_7 {strides = array<i32>} : memref<4x20x1000xf32, #tpu.memory_space<vmem>>, vector<16xf32>,
      %swap3A_159 = arith.index_cast %select_n3A : i32 to index
      %swap3A_160 = arith.index_cast %rem3A_39 : i32 to index
      %swap3A_161 = arith.constant 480 : index
      %swap3A_162 = tpu.vector_load %arg5[%swap3A_159, %swap3A_160, %swap3A_161] {strides = array<i32>} : memref<4x20x1000xf32, #tpu.memory_space<vmem>>, vector<16xf32>,
      tpu.vector_store %arg5[%swap3A_159, %swap3A_160, %swap3A_161], %broadcast_in_dim3A_7 {strides = array<i32>} : memref<4x20x1000xf32, #tpu.memory_space<vmem>>, vector<16xf32>,
      %swap3A_163 = arith.index_cast %select_n3A : i32 to index
      %swap3A_164 = arith.index_cast %rem3A_39 : i32 to index
      %swap3A_165 = arith.constant 496 : index
      %swap3A_166 = tpu.vector_load %arg5[%swap3A_163, %swap3A_164, %swap3A_165] {strides = array<i32>} : memref<4x20x1000xf32, #tpu.memory_space<vmem>>, vector<16xf32>,
      tpu.vector_store %arg5[%swap3A_163, %swap3A_164, %swap3A_165], %broadcast_in_dim3A_7 {strides = array<i32>} : memref<4x20x1000xf32, #tpu.memory_space<vmem>>, vector<16xf32>,
      %swap3A_167 = arith.index_cast %select_n3A : i32 to index
      %swap3A_168 = arith.index_cast %rem3A_39 : i32 to index
      %swap3A_169 = arith.constant 512 : index
      %swap3A_170 = tpu.vector_load %arg5[%swap3A_167, %swap3A_168, %swap3A_169] {strides = array<i32>} : memref<4x20x1000xf32, #tpu.memory_space<vmem>>, vector<16xf32>,
      tpu.vector_store %arg5[%swap3A_167, %swap3A_168, %swap3A_169], %broadcast_in_dim3A_7 {strides = array<i32>} : memref<4x20x1000xf32, #tpu.memory_space<vmem>>, vector<16xf32>,
      %swap3A_171 = arith.index_cast %select_n3A : i32 to index
      %swap3A_172 = arith.index_cast %rem3A_39 : i32 to index
      %swap3A_173 = arith.constant 528 : index
      %swap3A_174 = tpu.vector_load %arg5[%swap3A_171, %swap3A_172, %swap3A_173] {strides = array<i32>} : memref<4x20x1000xf32, #tpu.memory_space<vmem>>, vector<16xf32>,
      tpu.vector_store %arg5[%swap3A_171, %swap3A_172, %swap3A_173], %broadcast_in_dim3A_7 {strides = array<i32>} : memref<4x20x1000xf32, #tpu.memory_space<vmem>>, vector<16xf32>,
      %swap3A_175 = arith.index_cast %select_n3A : i32 to index
      %swap3A_176 = arith.index_cast %rem3A_39 : i32 to index
      %swap3A_177 = arith.constant 544 : index
      %swap3A_178 = tpu.vector_load %arg5[%swap3A_175, %swap3A_176, %swap3A_177] {strides = array<i32>} : memref<4x20x1000xf32, #tpu.memory_space<vmem>>, vector<16xf32>,
      tpu.vector_store %arg5[%swap3A_175, %swap3A_176, %swap3A_177], %broadcast_in_dim3A_7 {strides = array<i32>} : memref<4x20x1000xf32, #tpu.memory_space<vmem>>, vector<16xf32>,
      %swap3A_179 = arith.index_cast %select_n3A : i32 to index
      %swap3A_180 = arith.index_cast %rem3A_39 : i32 to index
      %swap3A_181 = arith.constant 560 : index
      %swap3A_182 = tpu.vector_load %arg5[%swap3A_179, %swap3A_180, %swap3A_181] {strides = array<i32>} : memref<4x20x1000xf32, #tpu.memory_space<vmem>>, vector<16xf32>,
      tpu.vector_store %arg5[%swap3A_179, %swap3A_180, %swap3A_181], %broadcast_in_dim3A_7 {strides = array<i32>} : memref<4x20x1000xf32, #tpu.memory_space<vmem>>, vector<16xf32>,
      %swap3A_183 = arith.index_cast %select_n3A : i32 to index
      %swap3A_184 = arith.index_cast %rem3A_39 : i32 to index
      %swap3A_185 = arith.constant 576 : index
      %swap3A_186 = tpu.vector_load %arg5[%swap3A_183, %swap3A_184, %swap3A_185] {strides = array<i32>} : memref<4x20x1000xf32, #tpu.memory_space<vmem>>, vector<16xf32>,
      tpu.vector_store %arg5[%swap3A_183, %swap3A_184, %swap3A_185], %broadcast_in_dim3A_7 {strides = array<i32>} : memref<4x20x1000xf32, #tpu.memory_space<vmem>>, vector<16xf32>,
      %swap3A_187 = arith.index_cast %select_n3A : i32 to index
      %swap3A_188 = arith.index_cast %rem3A_39 : i32 to index
      %swap3A_189 = arith.constant 592 : index
      %swap3A_190 = tpu.vector_load %arg5[%swap3A_187, %swap3A_188, %swap3A_189] {strides = array<i32>} : memref<4x20x1000xf32, #tpu.memory_space<vmem>>, vector<16xf32>,
      tpu.vector_store %arg5[%swap3A_187, %swap3A_188, %swap3A_189], %broadcast_in_dim3A_7 {strides = array<i32>} : memref<4x20x1000xf32, #tpu.memory_space<vmem>>, vector<16xf32>,
      %swap3A_191 = arith.index_cast %select_n3A : i32 to index
      %swap3A_192 = arith.index_cast %rem3A_39 : i32 to index
      %swap3A_193 = arith.constant 608 : index
      %swap3A_194 = tpu.vector_load %arg5[%swap3A_191, %swap3A_192, %swap3A_193] {strides = array<i32>} : memref<4x20x1000xf32, #tpu.memory_space<vmem>>, vector<16xf32>,
      tpu.vector_store %arg5[%swap3A_191, %swap3A_192, %swap3A_193], %broadcast_in_dim3A_7 {strides = array<i32>} : memref<4x20x1000xf32, #tpu.memory_space<vmem>>, vector<16xf32>,
      %swap3A_195 = arith.index_cast %select_n3A : i32 to index
      %swap3A_196 = arith.index_cast %rem3A_39 : i32 to index
      %swap3A_197 = arith.constant 624 : index
      %swap3A_198 = tpu.vector_load %arg5[%swap3A_195, %swap3A_196, %swap3A_197] {strides = array<i32>} : memref<4x20x1000xf32, #tpu.memory_space<vmem>>, vector<16xf32>,
      tpu.vector_store %arg5[%swap3A_195, %swap3A_196, %swap3A_197], %broadcast_in_dim3A_7 {strides = array<i32>} : memref<4x20x1000xf32, #tpu.memory_space<vmem>>, vector<16xf32>,
      %swap3A_199 = arith.index_cast %select_n3A : i32 to index
      %swap3A_200 = arith.index_cast %rem3A_39 : i32 to index
      %swap3A_201 = arith.constant 640 : index
      %swap3A_202 = tpu.vector_load %arg5[%swap3A_199, %swap3A_200, %swap3A_201] {strides = array<i32>} : memref<4x20x1000xf32, #tpu.memory_space<vmem>>, vector<16xf32>,
      tpu.vector_store %arg5[%swap3A_199, %swap3A_200, %swap3A_201], %broadcast_in_dim3A_7 {strides = array<i32>} : memref<4x20x1000xf32, #tpu.memory_space<vmem>>, vector<16xf32>,
      %swap3A_203 = arith.index_cast %select_n3A : i32 to index
      %swap3A_204 = arith.index_cast %rem3A_39 : i32 to index
      %swap3A_205 = arith.constant 656 : index
      %swap3A_206 = tpu.vector_load %arg5[%swap3A_203, %swap3A_204, %swap3A_205] {strides = array<i32>} : memref<4x20x1000xf32, #tpu.memory_space<vmem>>, vector<16xf32>,
      tpu.vector_store %arg5[%swap3A_203, %swap3A_204, %swap3A_205], %broadcast_in_dim3A_7 {strides = array<i32>} : memref<4x20x1000xf32, #tpu.memory_space<vmem>>, vector<16xf32>,
      %swap3A_207 = arith.index_cast %select_n3A : i32 to index
      %swap3A_208 = arith.index_cast %rem3A_39 : i32 to index
      %swap3A_209 = arith.constant 672 : index
      %swap3A_210 = tpu.vector_load %arg5[%swap3A_207, %swap3A_208, %swap3A_209] {strides = array<i32>} : memref<4x20x1000xf32, #tpu.memory_space<vmem>>, vector<16xf32>,
      tpu.vector_store %arg5[%swap3A_207, %swap3A_208, %swap3A_209], %broadcast_in_dim3A_7 {strides = array<i32>} : memref<4x20x1000xf32, #tpu.memory_space<vmem>>, vector<16xf32>,
      %swap3A_211 = arith.index_cast %select_n3A : i32 to index
      %swap3A_212 = arith.index_cast %rem3A_39 : i32 to index
      %swap3A_213 = arith.constant 688 : index
      %swap3A_214 = tpu.vector_load %arg5[%swap3A_211, %swap3A_212, %swap3A_213] {strides = array<i32>} : memref<4x20x1000xf32, #tpu.memory_space<vmem>>, vector<16xf32>,
      tpu.vector_store %arg5[%swap3A_211, %swap3A_212, %swap3A_213], %broadcast_in_dim3A_7 {strides = array<i32>} : memref<4x20x1000xf32, #tpu.memory_space<vmem>>, vector<16xf32>,
      %swap3A_215 = arith.index_cast %select_n3A : i32 to index
      %swap3A_216 = arith.index_cast %rem3A_39 : i32 to index
      %swap3A_217 = arith.constant 704 : index
      %swap3A_218 = tpu.vector_load %arg5[%swap3A_215, %swap3A_216, %swap3A_217] {strides = array<i32>} : memref<4x20x1000xf32, #tpu.memory_space<vmem>>, vector<16xf32>,
      tpu.vector_store %arg5[%swap3A_215, %swap3A_216, %swap3A_217], %broadcast_in_dim3A_7 {strides = array<i32>} : memref<4x20x1000xf32, #tpu.memory_space<vmem>>, vector<16xf32>,
      %swap3A_219 = arith.index_cast %select_n3A : i32 to index
      %swap3A_220 = arith.index_cast %rem3A_39 : i32 to index
      %swap3A_221 = arith.constant 720 : index
      %swap3A_222 = tpu.vector_load %arg5[%swap3A_219, %swap3A_220, %swap3A_221] {strides = array<i32>} : memref<4x20x1000xf32, #tpu.memory_space<vmem>>, vector<16xf32>,
      tpu.vector_store %arg5[%swap3A_219, %swap3A_220, %swap3A_221], %broadcast_in_dim3A_7 {strides = array<i32>} : memref<4x20x1000xf32, #tpu.memory_space<vmem>>, vector<16xf32>,
      %swap3A_223 = arith.index_cast %select_n3A : i32 to index
      %swap3A_224 = arith.index_cast %rem3A_39 : i32 to index
      %swap3A_225 = arith.constant 736 : index
      %swap3A_226 = tpu.vector_load %arg5[%swap3A_223, %swap3A_224, %swap3A_225] {strides = array<i32>} : memref<4x20x1000xf32, #tpu.memory_space<vmem>>, vector<16xf32>,
      tpu.vector_store %arg5[%swap3A_223, %swap3A_224, %swap3A_225], %broadcast_in_dim3A_7 {strides = array<i32>} : memref<4x20x1000xf32, #tpu.memory_space<vmem>>, vector<16xf32>,
      %swap3A_227 = arith.index_cast %select_n3A : i32 to index
      %swap3A_228 = arith.index_cast %rem3A_39 : i32 to index
      %swap3A_229 = arith.constant 752 : index
      %swap3A_230 = tpu.vector_load %arg5[%swap3A_227, %swap3A_228, %swap3A_229] {strides = array<i32>} : memref<4x20x1000xf32, #tpu.memory_space<vmem>>, vector<16xf32>,
      tpu.vector_store %arg5[%swap3A_227, %swap3A_228, %swap3A_229], %broadcast_in_dim3A_7 {strides = array<i32>} : memref<4x20x1000xf32, #tpu.memory_space<vmem>>, vector<16xf32>,
      %swap3A_231 = arith.index_cast %select_n3A : i32 to index
      %swap3A_232 = arith.index_cast %rem3A_39 : i32 to index
      %swap3A_233 = arith.constant 768 : index
      %swap3A_234 = tpu.vector_load %arg5[%swap3A_231, %swap3A_232, %swap3A_233] {strides = array<i32>} : memref<4x20x1000xf32, #tpu.memory_space<vmem>>, vector<16xf32>,
      tpu.vector_store %arg5[%swap3A_231, %swap3A_232, %swap3A_233], %broadcast_in_dim3A_7 {strides = array<i32>} : memref<4x20x1000xf32, #tpu.memory_space<vmem>>, vector<16xf32>,
      %swap3A_235 = arith.index_cast %select_n3A : i32 to index
      %swap3A_236 = arith.index_cast %rem3A_39 : i32 to index
      %swap3A_237 = arith.constant 784 : index
      %swap3A_238 = tpu.vector_load %arg5[%swap3A_235, %swap3A_236, %swap3A_237] {strides = array<i32>} : memref<4x20x1000xf32, #tpu.memory_space<vmem>>, vector<16xf32>,
      tpu.vector_store %arg5[%swap3A_235, %swap3A_236, %swap3A_237], %broadcast_in_dim3A_7 {strides = array<i32>} : memref<4x20x1000xf32, #tpu.memory_space<vmem>>, vector<16xf32>,
      %swap3A_239 = arith.index_cast %select_n3A : i32 to index
      %swap3A_240 = arith.index_cast %rem3A_39 : i32 to index
      %swap3A_241 = arith.constant 800 : index
      %swap3A_242 = tpu.vector_load %arg5[%swap3A_239, %swap3A_240, %swap3A_241] {strides = array<i32>} : memref<4x20x1000xf32, #tpu.memory_space<vmem>>, vector<16xf32>,
      tpu.vector_store %arg5[%swap3A_239, %swap3A_240, %swap3A_241], %broadcast_in_dim3A_7 {strides = array<i32>} : memref<4x20x1000xf32, #tpu.memory_space<vmem>>, vector<16xf32>,
      %swap3A_243 = arith.index_cast %select_n3A : i32 to index
      %swap3A_244 = arith.index_cast %rem3A_39 : i32 to index
      %swap3A_245 = arith.constant 816 : index
      %swap3A_246 = tpu.vector_load %arg5[%swap3A_243, %swap3A_244, %swap3A_245] {strides = array<i32>} : memref<4x20x1000xf32, #tpu.memory_space<vmem>>, vector<16xf32>,
      tpu.vector_store %arg5[%swap3A_243, %swap3A_244, %swap3A_245], %broadcast_in_dim3A_7 {strides = array<i32>} : memref<4x20x1000xf32, #tpu.memory_space<vmem>>, vector<16xf32>,
      %swap3A_247 = arith.index_cast %select_n3A : i32 to index
      %swap3A_248 = arith.index_cast %rem3A_39 : i32 to index
      %swap3A_249 = arith.constant 832 : index
      %swap3A_250 = tpu.vector_load %arg5[%swap3A_247, %swap3A_248, %swap3A_249] {strides = array<i32>} : memref<4x20x1000xf32, #tpu.memory_space<vmem>>, vector<16xf32>,
      tpu.vector_store %arg5[%swap3A_247, %swap3A_248, %swap3A_249], %broadcast_in_dim3A_7 {strides = array<i32>} : memref<4x20x1000xf32, #tpu.memory_space<vmem>>, vector<16xf32>,
      %swap3A_251 = arith.index_cast %select_n3A : i32 to index
      %swap3A_252 = arith.index_cast %rem3A_39 : i32 to index
      %swap3A_253 = arith.constant 848 : index
      %swap3A_254 = tpu.vector_load %arg5[%swap3A_251, %swap3A_252, %swap3A_253] {strides = array<i32>} : memref<4x20x1000xf32, #tpu.memory_space<vmem>>, vector<16xf32>,
      tpu.vector_store %arg5[%swap3A_251, %swap3A_252, %swap3A_253], %broadcast_in_dim3A_7 {strides = array<i32>} : memref<4x20x1000xf32, #tpu.memory_space<vmem>>, vector<16xf32>,
      %swap3A_255 = arith.index_cast %select_n3A : i32 to index
      %swap3A_256 = arith.index_cast %rem3A_39 : i32 to index
      %swap3A_257 = arith.constant 864 : index
      %swap3A_258 = tpu.vector_load %arg5[%swap3A_255, %swap3A_256, %swap3A_257] {strides = array<i32>} : memref<4x20x1000xf32, #tpu.memory_space<vmem>>, vector<16xf32>,
      tpu.vector_store %arg5[%swap3A_255, %swap3A_256, %swap3A_257], %broadcast_in_dim3A_7 {strides = array<i32>} : memref<4x20x1000xf32, #tpu.memory_space<vmem>>, vector<16xf32>,
      %swap3A_259 = arith.index_cast %select_n3A : i32 to index
      %swap3A_260 = arith.index_cast %rem3A_39 : i32 to index
      %swap3A_261 = arith.constant 880 : index
      %swap3A_262 = tpu.vector_load %arg5[%swap3A_259, %swap3A_260, %swap3A_261] {strides = array<i32>} : memref<4x20x1000xf32, #tpu.memory_space<vmem>>, vector<16xf32>,
      tpu.vector_store %arg5[%swap3A_259, %swap3A_260, %swap3A_261], %broadcast_in_dim3A_7 {strides = array<i32>} : memref<4x20x1000xf32, #tpu.memory_space<vmem>>, vector<16xf32>,
      %swap3A_263 = arith.index_cast %select_n3A : i32 to index
      %swap3A_264 = arith.index_cast %rem3A_39 : i32 to index
      %swap3A_265 = arith.constant 896 : index
      %swap3A_266 = tpu.vector_load %arg5[%swap3A_263, %swap3A_264, %swap3A_265] {strides = array<i32>} : memref<4x20x1000xf32, #tpu.memory_space<vmem>>, vector<16xf32>,
      tpu.vector_store %arg5[%swap3A_263, %swap3A_264, %swap3A_265], %broadcast_in_dim3A_7 {strides = array<i32>} : memref<4x20x1000xf32, #tpu.memory_space<vmem>>, vector<16xf32>,
      %swap3A_267 = arith.index_cast %select_n3A : i32 to index
      %swap3A_268 = arith.index_cast %rem3A_39 : i32 to index
      %swap3A_269 = arith.constant 912 : index
      %swap3A_270 = tpu.vector_load %arg5[%swap3A_267, %swap3A_268, %swap3A_269] {strides = array<i32>} : memref<4x20x1000xf32, #tpu.memory_space<vmem>>, vector<16xf32>,
      tpu.vector_store %arg5[%swap3A_267, %swap3A_268, %swap3A_269], %broadcast_in_dim3A_7 {strides = array<i32>} : memref<4x20x1000xf32, #tpu.memory_space<vmem>>, vector<16xf32>,
      %swap3A_271 = arith.index_cast %select_n3A : i32 to index
      %swap3A_272 = arith.index_cast %rem3A_39 : i32 to index
      %swap3A_273 = arith.constant 928 : index
      %swap3A_274 = tpu.vector_load %arg5[%swap3A_271, %swap3A_272, %swap3A_273] {strides = array<i32>} : memref<4x20x1000xf32, #tpu.memory_space<vmem>>, vector<16xf32>,
      tpu.vector_store %arg5[%swap3A_271, %swap3A_272, %swap3A_273], %broadcast_in_dim3A_7 {strides = array<i32>} : memref<4x20x1000xf32, #tpu.memory_space<vmem>>, vector<16xf32>,
      %swap3A_275 = arith.index_cast %select_n3A : i32 to index
      %swap3A_276 = arith.index_cast %rem3A_39 : i32 to index
      %swap3A_277 = arith.constant 944 : index
      %swap3A_278 = tpu.vector_load %arg5[%swap3A_275, %swap3A_276, %swap3A_277] {strides = array<i32>} : memref<4x20x1000xf32, #tpu.memory_space<vmem>>, vector<16xf32>,
      tpu.vector_store %arg5[%swap3A_275, %swap3A_276, %swap3A_277], %broadcast_in_dim3A_7 {strides = array<i32>} : memref<4x20x1000xf32, #tpu.memory_space<vmem>>, vector<16xf32>,
      %swap3A_279 = arith.index_cast %select_n3A : i32 to index
      %swap3A_280 = arith.index_cast %rem3A_39 : i32 to index
      %swap3A_281 = arith.constant 960 : index
      %swap3A_282 = tpu.vector_load %arg5[%swap3A_279, %swap3A_280, %swap3A_281] {strides = array<i32>} : memref<4x20x1000xf32, #tpu.memory_space<vmem>>, vector<16xf32>,
      tpu.vector_store %arg5[%swap3A_279, %swap3A_280, %swap3A_281], %broadcast_in_dim3A_7 {strides = array<i32>} : memref<4x20x1000xf32, #tpu.memory_space<vmem>>, vector<16xf32>,
      %swap3A_283 = arith.index_cast %select_n3A : i32 to index
      %swap3A_284 = arith.index_cast %rem3A_39 : i32 to index
      %swap3A_285 = arith.constant 976 : index
      %swap3A_286 = tpu.vector_load %arg5[%swap3A_283, %swap3A_284, %swap3A_285] {strides = array<i32>} : memref<4x20x1000xf32, #tpu.memory_space<vmem>>, vector<16xf32>,
      tpu.vector_store %arg5[%swap3A_283, %swap3A_284, %swap3A_285], %broadcast_in_dim3A_7 {strides = array<i32>} : memref<4x20x1000xf32, #tpu.memory_space<vmem>>, vector<16xf32>,
      %swap3A_287 = arith.index_cast %select_n3A : i32 to index
      %swap3A_288 = arith.index_cast %rem3A_39 : i32 to index
      %swap3A_289 = arith.constant 984 : index
      %swap3A_290 = tpu.vector_load %arg5[%swap3A_287, %swap3A_288, %swap3A_289] {strides = array<i32>} : memref<4x20x1000xf32, #tpu.memory_space<vmem>>, vector<16xf32>,
      tpu.vector_store %arg5[%swap3A_287, %swap3A_288, %swap3A_289], %broadcast_in_dim3A_7 {strides = array<i32>} : memref<4x20x1000xf32, #tpu.memory_space<vmem>>, vector<16xf32>,
    }
    %scan3A_14 = arith.constant 80 : i32
    %scan3A_15 = arith.constant 0 : i32
    %scan3A_16 = arith.constant 0 : i32
    %scan3A_17 = arith.constant 32 : i32
    %scan3A_18 = arith.addi %scan3A_16, %scan3A_17 : i32
    %scan3A_19 = arith.constant 1 : i32
    scf.for %scan3A_21 = %scan3A_16 to %scan3A_18 step %scan3A_19  : i32 {
      %iota3A = tpu.iota {dimensions = array<i32: 0>} : vector<16xi32>
      %add3A_22 = arith.constant 0 : i32
      %add3A_23 = vector.broadcast %add3A_22 : i32 to vector<16xi32>
      %add3A_24 = arith.addi %add3A_23, %iota3A : vector<16xi32>
      %broadcast_in_dim3A_25 = arith.constant 0 : i32
      %broadcast_in_dim3A_26 = vector.broadcast %broadcast_in_dim3A_25 : i32 to vector<16xi32>
      %mul3A_27 = arith.constant 20 : i32
      %mul3A_28 = vector.broadcast %mul3A_27 : i32 to vector<16xi32>
      %mul3A_29 = arith.muli %broadcast_in_dim3A_26, %mul3A_28 : vector<16xi32>
      %sub3A = arith.subi %add3A_24, %mul3A_29 : vector<16xi32>
      %mul3A_30 = arith.constant 80 : i32
      %mul3A_31 = arith.muli %scan3A_21, %mul3A_30 : i32
      %add3A_32 = arith.constant 0 : i32
      %add3A_33 = arith.addi %mul3A_31, %add3A_32 : i32
      %get3A = arith.index_cast %add3A_33 : i32 to index
      %get3A_34 = tpu.vector_load %arg4[%get3A] {strides = array<i32>} : memref<2560xi32, #tpu.memory_space<vmem>>, vector<16xi32>,
      tpu.vector_store_idx %arg5[%broadcast_in_dim3A_26, %sub3A, %get3A_34], %broadcast_in_dim3A_9 : memref<4x20x1000xf32, #tpu.memory_space<vmem>>[vector<16xi32>, vector<16xi32>, vector<16xi32>], vector<16xf32>,
      %iota3A_35 = tpu.iota {dimensions = array<i32: 0>} : vector<16xi32>
      %add3A_36 = arith.constant 16 : i32
      %add3A_37 = vector.broadcast %add3A_36 : i32 to vector<16xi32>
      %add3A_38 = arith.addi %add3A_37, %iota3A_35 : vector<16xi32>
      %broadcast_in_dim3A_39 = arith.constant 0 : i32
      %broadcast_in_dim3A_40 = vector.broadcast %broadcast_in_dim3A_39 : i32 to vector<16xi32>
      %ge3A = arith.constant 20 : i32
      %ge3A_41 = vector.broadcast %ge3A : i32 to vector<16xi32>
      %ge3A_42 = arith.cmpi sge, %add3A_38, %ge3A_41 : vector<16xi32>
      %convert_element_type3A = arith.extui %ge3A_42 : vector<16xi1> to vector<16xi32>
      %add3A_43 = arith.addi %broadcast_in_dim3A_40, %convert_element_type3A : vector<16xi32>
      %mul3A_44 = arith.constant 20 : i32
      %mul3A_45 = vector.broadcast %mul3A_44 : i32 to vector<16xi32>
      %mul3A_46 = arith.muli %add3A_43, %mul3A_45 : vector<16xi32>
      %sub3A_47 = arith.subi %add3A_38, %mul3A_46 : vector<16xi32>
      %mul3A_48 = arith.constant 80 : i32
      %mul3A_49 = arith.muli %scan3A_21, %mul3A_48 : i32
      %add3A_50 = arith.constant 16 : i32
      %add3A_51 = arith.addi %mul3A_49, %add3A_50 : i32
      %get3A_52 = arith.index_cast %add3A_51 : i32 to index
      %get3A_53 = tpu.vector_load %arg4[%get3A_52] {strides = array<i32>} : memref<2560xi32, #tpu.memory_space<vmem>>, vector<16xi32>,
      tpu.vector_store_idx %arg5[%add3A_43, %sub3A_47, %get3A_53], %broadcast_in_dim3A_9 : memref<4x20x1000xf32, #tpu.memory_space<vmem>>[vector<16xi32>, vector<16xi32>, vector<16xi32>], vector<16xf32>,
      %iota3A_54 = tpu.iota {dimensions = array<i32: 0>} : vector<16xi32>
      %add3A_55 = arith.constant 32 : i32
      %add3A_56 = vector.broadcast %add3A_55 : i32 to vector<16xi32>
      %add3A_57 = arith.addi %add3A_56, %iota3A_54 : vector<16xi32>
      %broadcast_in_dim3A_58 = arith.constant 0 : i32
      %broadcast_in_dim3A_59 = vector.broadcast %broadcast_in_dim3A_58 : i32 to vector<16xi32>
      %ge3A_60 = arith.constant 20 : i32
      %ge3A_61 = vector.broadcast %ge3A_60 : i32 to vector<16xi32>
      %ge3A_62 = arith.cmpi sge, %add3A_57, %ge3A_61 : vector<16xi32>
      %convert_element_type3A_63 = arith.extui %ge3A_62 : vector<16xi1> to vector<16xi32>
      %add3A_64 = arith.addi %broadcast_in_dim3A_59, %convert_element_type3A_63 : vector<16xi32>
      %ge3A_65 = arith.constant 40 : i32
      %ge3A_66 = vector.broadcast %ge3A_65 : i32 to vector<16xi32>
      %ge3A_67 = arith.cmpi sge, %add3A_57, %ge3A_66 : vector<16xi32>
      %convert_element_type3A_68 = arith.extui %ge3A_67 : vector<16xi1> to vector<16xi32>
      %add3A_69 = arith.addi %add3A_64, %convert_element_type3A_68 : vector<16xi32>
      %mul3A_70 = arith.constant 20 : i32
      %mul3A_71 = vector.broadcast %mul3A_70 : i32 to vector<16xi32>
      %mul3A_72 = arith.muli %add3A_69, %mul3A_71 : vector<16xi32>
      %sub3A_73 = arith.subi %add3A_57, %mul3A_72 : vector<16xi32>
      %mul3A_74 = arith.constant 80 : i32
      %mul3A_75 = arith.muli %scan3A_21, %mul3A_74 : i32
      %add3A_76 = arith.constant 32 : i32
      %add3A_77 = arith.addi %mul3A_75, %add3A_76 : i32
      %get3A_78 = arith.index_cast %add3A_77 : i32 to index
      %get3A_79 = tpu.vector_load %arg4[%get3A_78] {strides = array<i32>} : memref<2560xi32, #tpu.memory_space<vmem>>, vector<16xi32>,
      tpu.vector_store_idx %arg5[%add3A_69, %sub3A_73, %get3A_79], %broadcast_in_dim3A_9 : memref<4x20x1000xf32, #tpu.memory_space<vmem>>[vector<16xi32>, vector<16xi32>, vector<16xi32>], vector<16xf32>,
      %iota3A_80 = tpu.iota {dimensions = array<i32: 0>} : vector<16xi32>
      %add3A_81 = arith.constant 48 : i32
      %add3A_82 = vector.broadcast %add3A_81 : i32 to vector<16xi32>
      %add3A_83 = arith.addi %add3A_82, %iota3A_80 : vector<16xi32>
      %broadcast_in_dim3A_84 = arith.constant 0 : i32
      %broadcast_in_dim3A_85 = vector.broadcast %broadcast_in_dim3A_84 : i32 to vector<16xi32>
      %ge3A_86 = arith.constant 20 : i32
      %ge3A_87 = vector.broadcast %ge3A_86 : i32 to vector<16xi32>
      %ge3A_88 = arith.cmpi sge, %add3A_83, %ge3A_87 : vector<16xi32>
      %convert_element_type3A_89 = arith.extui %ge3A_88 : vector<16xi1> to vector<16xi32>
      %add3A_90 = arith.addi %broadcast_in_dim3A_85, %convert_element_type3A_89 : vector<16xi32>
      %ge3A_91 = arith.constant 40 : i32
      %ge3A_92 = vector.broadcast %ge3A_91 : i32 to vector<16xi32>
      %ge3A_93 = arith.cmpi sge, %add3A_83, %ge3A_92 : vector<16xi32>
      %convert_element_type3A_94 = arith.extui %ge3A_93 : vector<16xi1> to vector<16xi32>
      %add3A_95 = arith.addi %add3A_90, %convert_element_type3A_94 : vector<16xi32>
      %ge3A_96 = arith.constant 60 : i32
      %ge3A_97 = vector.broadcast %ge3A_96 : i32 to vector<16xi32>
      %ge3A_98 = arith.cmpi sge, %add3A_83, %ge3A_97 : vector<16xi32>
      %convert_element_type3A_99 = arith.extui %ge3A_98 : vector<16xi1> to vector<16xi32>
      %add3A_100 = arith.addi %add3A_95, %convert_element_type3A_99 : vector<16xi32>
      %mul3A_101 = arith.constant 20 : i32
      %mul3A_102 = vector.broadcast %mul3A_101 : i32 to vector<16xi32>
      %mul3A_103 = arith.muli %add3A_100, %mul3A_102 : vector<16xi32>
      %sub3A_104 = arith.subi %add3A_83, %mul3A_103 : vector<16xi32>
      %mul3A_105 = arith.constant 80 : i32
      %mul3A_106 = arith.muli %scan3A_21, %mul3A_105 : i32
      %add3A_107 = arith.constant 48 : i32
      %add3A_108 = arith.addi %mul3A_106, %add3A_107 : i32
      %get3A_109 = arith.index_cast %add3A_108 : i32 to index
      %get3A_110 = tpu.vector_load %arg4[%get3A_109] {strides = array<i32>} : memref<2560xi32, #tpu.memory_space<vmem>>, vector<16xi32>,
      tpu.vector_store_idx %arg5[%add3A_100, %sub3A_104, %get3A_110], %broadcast_in_dim3A_9 : memref<4x20x1000xf32, #tpu.memory_space<vmem>>[vector<16xi32>, vector<16xi32>, vector<16xi32>], vector<16xf32>,
      %iota3A_111 = tpu.iota {dimensions = array<i32: 0>} : vector<16xi32>
      %add3A_112 = arith.constant 64 : i32
      %add3A_113 = vector.broadcast %add3A_112 : i32 to vector<16xi32>
      %add3A_114 = arith.addi %add3A_113, %iota3A_111 : vector<16xi32>
      %broadcast_in_dim3A_115 = arith.constant 0 : i32
      %broadcast_in_dim3A_116 = vector.broadcast %broadcast_in_dim3A_115 : i32 to vector<16xi32>
      %ge3A_117 = arith.constant 20 : i32
      %ge3A_118 = vector.broadcast %ge3A_117 : i32 to vector<16xi32>
      %ge3A_119 = arith.cmpi sge, %add3A_114, %ge3A_118 : vector<16xi32>
      %convert_element_type3A_120 = arith.extui %ge3A_119 : vector<16xi1> to vector<16xi32>
      %add3A_121 = arith.addi %broadcast_in_dim3A_116, %convert_element_type3A_120 : vector<16xi32>
      %ge3A_122 = arith.constant 40 : i32
      %ge3A_123 = vector.broadcast %ge3A_122 : i32 to vector<16xi32>
      %ge3A_124 = arith.cmpi sge, %add3A_114, %ge3A_123 : vector<16xi32>
      %convert_element_type3A_125 = arith.extui %ge3A_124 : vector<16xi1> to vector<16xi32>
      %add3A_126 = arith.addi %add3A_121, %convert_element_type3A_125 : vector<16xi32>
      %ge3A_127 = arith.constant 60 : i32
      %ge3A_128 = vector.broadcast %ge3A_127 : i32 to vector<16xi32>
      %ge3A_129 = arith.cmpi sge, %add3A_114, %ge3A_128 : vector<16xi32>
      %convert_element_type3A_130 = arith.extui %ge3A_129 : vector<16xi1> to vector<16xi32>
      %add3A_131 = arith.addi %add3A_126, %convert_element_type3A_130 : vector<16xi32>
      %mul3A_132 = arith.constant 20 : i32
      %mul3A_133 = vector.broadcast %mul3A_132 : i32 to vector<16xi32>
      %mul3A_134 = arith.muli %add3A_131, %mul3A_133 : vector<16xi32>
      %sub3A_135 = arith.subi %add3A_114, %mul3A_134 : vector<16xi32>
      %mul3A_136 = arith.constant 80 : i32
      %mul3A_137 = arith.muli %scan3A_21, %mul3A_136 : i32
      %add3A_138 = arith.constant 64 : i32
      %add3A_139 = arith.addi %mul3A_137, %add3A_138 : i32
      %get3A_140 = arith.index_cast %add3A_139 : i32 to index
      %get3A_141 = tpu.vector_load %arg4[%get3A_140] {strides = array<i32>} : memref<2560xi32, #tpu.memory_space<vmem>>, vector<16xi32>,
      tpu.vector_store_idx %arg5[%add3A_131, %sub3A_135, %get3A_141], %broadcast_in_dim3A_9 : memref<4x20x1000xf32, #tpu.memory_space<vmem>>[vector<16xi32>, vector<16xi32>, vector<16xi32>], vector<16xf32>,
      %mul3A_142 = arith.constant 4 : i32
      %mul3A_143 = arith.muli %scan3A_21, %mul3A_142 : i32
      %add3A_144 = arith.addi %mul3A_6, %mul3A_143 : i32
      "tpu.region"() ({
        %run_scoped3A = tpu.sem_alloc : memref<!tpu.dma_semaphore, #tpu.memory_space<semaphore_mem>>
        %dma_start3A = arith.constant 0 : i32
        %dma_start3A_145 = arith.constant 0 : i32
        %dma_start3A_146 = tpu.memref_slice %arg3[%add3A_144, %dma_start3A, %dma_start3A_145] : memref<4096x20x1000xf32, #tpu.memory_space<hbm>> -> memref<4x20x1000xf32, #tpu.memory_space<hbm>>
        %dma_start3A_147 = arith.constant 0 : i32
        %dma_start3A_148 = arith.constant 0 : i32
        %dma_start3A_149 = tpu.memref_slice %arg3[%add3A_144, %dma_start3A_147, %dma_start3A_148] : memref<4096x20x1000xf32, #tpu.memory_space<hbm>> -> memref<4x20x1000xf32, #tpu.memory_space<hbm>>
        tpu.enqueue_dma source(%arg5 : memref<4x20x1000xf32, #tpu.memory_space<vmem>>) target(%dma_start3A_149 : memref<4x20x1000xf32, #tpu.memory_space<hbm>>) target_semaphore(%run_scoped3A : memref<!tpu.dma_semaphore, #tpu.memory_space<semaphore_mem>>)
        %dma_wait3A = arith.constant 0 : i32
        %dma_wait3A_150 = arith.constant 0 : i32
        %dma_wait3A_151 = tpu.memref_slice %arg3[%add3A_144, %dma_wait3A, %dma_wait3A_150] : memref<4096x20x1000xf32, #tpu.memory_space<hbm>> -> memref<4x20x1000xf32, #tpu.memory_space<hbm>>
        %dma_wait3A_152 = arith.constant 0 : i32
        %dma_wait3A_153 = arith.constant 0 : i32
        %dma_wait3A_154 = tpu.memref_slice %arg3[%add3A_144, %dma_wait3A_152, %dma_wait3A_153] : memref<4096x20x1000xf32, #tpu.memory_space<hbm>> -> memref<4x20x1000xf32, #tpu.memory_space<hbm>>
        tpu.wait_dma2 semaphore(%run_scoped3A : memref<!tpu.dma_semaphore, #tpu.memory_space<semaphore_mem>>) src(%arg5 : memref<4x20x1000xf32, #tpu.memory_space<vmem>>) dst(%dma_wait3A_154 : memref<4x20x1000xf32, #tpu.memory_space<hbm>>)
        tpu.yield
      }) : () -> ()
      tpu.vector_store_idx %arg5[%broadcast_in_dim3A_26, %sub3A, %get3A_34], %broadcast_in_dim3A_7 : memref<4x20x1000xf32, #tpu.memory_space<vmem>>[vector<16xi32>, vector<16xi32>, vector<16xi32>], vector<16xf32>,
      tpu.vector_store_idx %arg5[%add3A_43, %sub3A_47, %get3A_53], %broadcast_in_dim3A_7 : memref<4x20x1000xf32, #tpu.memory_space<vmem>>[vector<16xi32>, vector<16xi32>, vector<16xi32>], vector<16xf32>,
      tpu.vector_store_idx %arg5[%add3A_69, %sub3A_73, %get3A_79], %broadcast_in_dim3A_7 : memref<4x20x1000xf32, #tpu.memory_space<vmem>>[vector<16xi32>, vector<16xi32>, vector<16xi32>], vector<16xf32>,
      tpu.vector_store_idx %arg5[%add3A_100, %sub3A_104, %get3A_110], %broadcast_in_dim3A_7 : memref<4x20x1000xf32, #tpu.memory_space<vmem>>[vector<16xi32>, vector<16xi32>, vector<16xi32>], vector<16xf32>,
      tpu.vector_store_idx %arg5[%add3A_131, %sub3A_135, %get3A_141], %broadcast_in_dim3A_7 : memref<4x20x1000xf32, #tpu.memory_space<vmem>>[vector<16xi32>, vector<16xi32>, vector<16xi32>], vector<16xf32>,
    }
    %scan3A_20 = arith.constant 32 : i32
    return
  }
}

</mosaic_0001>

<sc_bundles>
// kernel: kernel.3.cloned.1.call-start
scs
__scs_entry_jumppad:
0x0: {  	(pc) =	sbr.rel $0x88, $3  }
0x1: {  	(tag) =	ssettag $0x0;
	lr =	simm.s32 $0x1  }
0x2: {  	[smem:$0x3FA0] =	sst lr;
	_ =	strace $0xD0000000  }
0x3: {  	_ = 	snop  }
0x4: {  	_ = 	snop  }
0x5: {  	_ = 	snop  }
0x6: {  	_ = 	snop  }
0x7: {  	_ = 	snop  }
__scs_overlays_trampoline_lowered:
0x8: {  	[smem:$0x3FAF] =	sst s0  }
0x9: {  	[smem:$0x3FB0] =	sst s1  }
0xa: {  	[smem:$0x3FB1] =	sst s2  }
0xb: {  	[smem:$0x3FB2] =	sst s3  }
0xc: {  	[smem:$0x3FB3] =	sst s4  }
0xd: {  	[smem:$0x3FB4] =	sst s5  }
0xe: {  	[smem:$0x3FB5] =	sst s6  }
0xf: {  	[smem:$0x3FB6] =	sst s7  }
0x10: {  	[smem:$0x3FB7] =	sst s8  }
0x11: {  	[smem:$0x3FB8] =	sst s9;
	s0 =	simm.s32 @!p0 $0x0  }
0x12: {  	s1 =	sld [smem:$0x3F9E];
	s0 =	simm.s32 @p0 $0x1  }
0x13: {  	[smem:$0x3FB9] =	sst s0;
	s0 =	simm.s32 @!p1 $0x0  }
0x14: {  	s2 =	sld [smem:$0x3F9D];
	s0 =	simm.s32 @p1 $0x1  }
0x15: {  	[smem:$0x3FBA] =	sst s0;
	s0 =	simm.s32 @!p2 $0x0  }
0x16: {  	s3 =	sld [smem:$0x3FDB];
	s0 =	simm.s32 @p2 $0x1  }
0x17: {  	s4 =	simm.s32 $0x1BF5;
	[smem:$0x3FBC] =	sst s0  }
0x18: {  	s0 =	sld [smem:$0x3F9F];
	_ =	swait.ge [sflag:s4], $0x0  }
0x19: {  	s7 =	sld [smem:$0x3FA0]  }
0x1a: {  	s8 =	sadd.s32 $0xFFFFE003, lr  }
0x1b: {  	s9 =	sadd.s32 $0xFFFFFEF7, lr;
	s5 =	simm.s32 $0xFFFFFFFF;
	p2 =	slt.u32 s8, $0xFFFFF086  }
0x1c: {  	p1 =	slt.u32 s9, $0xF7A;
	s5 =	simm.s32 @!p2 $0x0  }
0x1d: {  	s5 =	simm.s32 @p1 $0x1;
	p0 =	seq.s32 s7, s2  }
0x1e: {  	s7 =	smul.u32 @!p0 $0xF7A, s2;
	p2 =	seq.s32 @!p0 s5, $0x0  }
0x1f: {  	s9 =	smul.u32 $0xF7A, s1;
	s8 =	simm.s32 @!p0 $0x1BF5;
	p2 =	por !p2, p0  }
0x20: {  	[sflag:s8] =	ssyncset.s32 @!p0 $0xFFFFF086;
	s6 =	sadd.s32 @!p0 s3, s7;
	s7 =	simm.s32 @!p0 $0x108  }
0x21: {  	s3 =	sadd.s32 s3, s9;
	s6 =	sadd.s32 @!p0 $0x88, s6;
	s7 =	simm.s32 @p2 $0x1082  }
0x22: {  	[simem:s7], [sflag:s8] =	dma.local @!p0 [hbm:s6], $0xF7A  }
0x23: {  	s9 =	sor.u32 $0xD0000000, s2;
	s6 =	simm.s32 $0x108;
	_ =	swait.ge @!p0 [sflag:s8], $0x0  }
0x24: {  	s3 =	sadd.s32 $0x88, s3;
	s6 =	simm.s32 @!p1 $0x1082;
	[sflag:s4] =	ssyncset.s32 $0xFFFFF086  }
0x25: {  	[simem:s6], [sflag:s4] =	dma.local [hbm:s3], $0xF7A  }
0x26: {  	[smem:$0x3FA0] =	sst s1;
	(tag) =	ssettag s2;
	_ =	strace s9  }
0x27: {  	s1 =	sld [smem:$0x3FB0]  }
0x28: {  	s2 =	sld [smem:$0x3FB1]  }
0x29: {  	s4 =	sld [smem:$0x3FB3]  }
0x2a: {  	p0 =	seq.s32 s5, $0x0;
	s5 =	sld [smem:$0x3FB4]  }
0x2b: {  	s6 =	sld [smem:$0x3FB5]  }
0x2c: {  	s7 =	sld [smem:$0x3FB6]  }
0x2d: {  	s3 =	simm.s32 $0x108;
	s8 =	sld [smem:$0x3FB7]  }
0x2e: {  	s3 =	simm.s32 @!p0 $0x1082;
	s9 =	sld [smem:$0x3FB8]  }
0x2f: {  	lr =	sadd.s32 s0, s3;
	s0 =	sld [smem:$0x3FAF]  }
0x30: {  	s3 =	sld [smem:$0x3FB2]  }
0x31: {  	[smem:$0x3FBB] =	sst s10  }
0x32: {  	s10 =	sld [smem:$0x3FB9];
	_ =	sdelay $0x3  }
0x33: {  	p0 =	seq.s32 s10, $0x1;
	s10 =	sld [smem:$0x3FBB];
	_ =	sdelay $0x3  }
0x34: {  	[smem:$0x3FBB] =	sst s10  }
0x35: {  	s10 =	sld [smem:$0x3FBA];
	_ =	sdelay $0x3  }
0x36: {  	p1 =	seq.s32 s10, $0x1;
	s10 =	sld [smem:$0x3FBB];
	_ =	sdelay $0x3  }
0x37: {  	[smem:$0x3FBB] =	sst s10  }
0x38: {  	s10 =	sld [smem:$0x3FBC]  }
0x39: {  	_ = 	snop;
	(pc) =	sbr.ind lr, $3  }
0x3a: {  	_ = 	snop  }
0x3b: {  	_ = 	snop  }
0x3c: {  	p2 =	seq.s32 s10, $0x1;
	s10 =	sld [smem:$0x3FBB]  }
0x3d: {  	_ =	shalt  }
0x3e: {  	_ =	shalt  }
0x3f: {  	_ =	shalt  }
0x40: {  	_ =	shalt  }
0x41: {  	_ =	shalt  }
0x42: {  	_ =	shalt  }
0x43: {  	_ =	shalt  }
0x44: {  	_ =	shalt  }
0x45: {  	_ =	shalt  }
0x46: {  	_ =	shalt  }
0x47: {  	_ =	shalt  }
0x48: {  	_ =	shalt  }
0x49: {  	_ =	shalt  }
0x4a: {  	_ =	shalt  }
0x4b: {  	_ =	shalt  }
0x4c: {  	_ =	shalt  }
0x4d: {  	_ =	shalt  }
0x4e: {  	_ =	shalt  }
0x4f: {  	_ =	shalt  }
0x50: {  	_ =	shalt  }
0x51: {  	_ =	shalt  }
0x52: {  	_ =	shalt  }
0x53: {  	_ =	shalt  }
0x54: {  	_ =	shalt  }
0x55: {  	_ =	shalt  }
0x56: {  	_ =	shalt  }
0x57: {  	_ =	shalt  }
0x58: {  	_ =	shalt  }
0x59: {  	_ =	shalt  }
0x5a: {  	_ =	shalt  }
0x5b: {  	_ =	shalt  }
0x5c: {  	_ =	shalt  }
0x5d: {  	_ =	shalt  }
0x5e: {  	_ =	shalt  }
0x5f: {  	_ =	shalt  }
0x60: {  	_ =	shalt  }
0x61: {  	_ =	shalt  }
0x62: {  	_ =	shalt  }
0x63: {  	_ =	shalt  }
0x64: {  	_ =	shalt  }
0x65: {  	_ =	shalt  }
0x66: {  	_ =	shalt  }
0x67: {  	_ =	shalt  }
0x68: {  	_ =	shalt  }
0x69: {  	_ =	shalt  }
0x6a: {  	_ =	shalt  }
0x6b: {  	_ =	shalt  }
0x6c: {  	_ =	shalt  }
0x6d: {  	_ =	shalt  }
0x6e: {  	_ =	shalt  }
0x6f: {  	_ =	shalt  }
0x70: {  	_ =	shalt  }
0x71: {  	_ =	shalt  }
0x72: {  	_ =	shalt  }
0x73: {  	_ =	shalt  }
0x74: {  	_ =	shalt  }
0x75: {  	_ =	shalt  }
0x76: {  	_ =	shalt  }
0x77: {  	_ =	shalt  }
0x78: {  	_ =	shalt  }
0x79: {  	_ =	shalt  }
0x7a: {  	_ =	shalt  }
0x7b: {  	_ =	shalt  }
0x7c: {  	_ =	shalt  }
0x7d: {  	_ =	shalt  }
0x7e: {  	_ =	shalt  }
0x7f: {  	_ =	shalt  }
0x80: {  	_ =	shalt  }
0x81: {  	_ =	shalt  }
0x82: {  	_ =	shalt  }
0x83: {  	_ =	shalt  }
0x84: {  	_ =	shalt  }
0x85: {  	_ =	shalt  }
0x86: {  	_ =	shalt  }
0x87: {  	_ =	shalt  }
.Lfunc_end0:
.L_simem_size_0:
called_computation_lowered:
.L_overlay_start_0:
0x88: {  	s2 =	sld [smem:$0x3FD9]  }
0x89: {  	s3 =	sld [smem:$0x3FFE];
	_ =	sdelay $0x1  }
0x8a: {  	s1 =	srdreg.scid  }
0x8b: {  	s0 =	sand.u32 $0x1, s1  }
0x8c: {  	s17 =	sshll.u32 s0, $0xA;
	s2 =	sadd.s32 s3, s2  }
0x8d: {  	s2 =	sadd.s32 s2, s17  }
0x8e: {  	[smem:$0x3FC7] =	sst s2  }
0x8f: {  	_ = 	snop  }
0x90: {  	s2 =	sld [smem:$0x3FD0];
	(tm) =	ssettm $0x1  }
0x91: {  	s18 =	sld [smem:$0x3FFB];
	_ =	sdelay $0x3  }
0x92: {  	_ =	strace s18  }
0x93: {  	s3 =	sld [smem:$0x3FFC];
	_ =	sdelay $0x3  }
0x94: {  	_ =	strace s3  }
0x95: {  	s3 =	sld [smem:$0x3FFD];
	_ =	sdelay $0x3  }
0x96: {  	_ =	strace s3  }
0x97: {  	_ =	strace $0x8FFFFFFF  }
0x98: {  	s19 =	sld [smem:$0x3FDB];
	_ =	sdelay $0x1  }
0x99: {  	s4 =	simm.s32 $_scs_section_size  }
0x9a: {  	s5 =	simm.s32 $_size__tile_overlayer_lowered;
	s6 =	simm.s32 $_tile_overlayer_lowered  }
0x9b: {  	s22 =	simm.s32 $0x1BFF;
	s21 =	sshll.u32 s6, $0x1;
	s3 =	sadd.s32 s4, s19  }
0x9c: {  	s7 =	simm.s32 $0x0;
	s20 =	sshll.u32 s5, $0x1;
	s5 =	sadd.s32 s21, s3  }
0x9d: {  	[timem:s7], [sflag:s22] =	dma.local [hbm:s5], s20  }
0x9e: {  	_ =	swait.ge [sflag:s22], s20  }
0x9f: {  	s4 =	ssub.s32 $0x0, s20;
	[sflag:s22] =	ssyncset.done $0x0  }
0xa0: {  	[sflag:s22] =	ssyncadd.s32 s4;
	_ =	sdelay $0x1  }
0xa1: {  	s23 =	simm.s32 $0x1B8B  }
0xa2: {  	_ =	swait.ge [sflag:s23], $0x1  }
0xa3: {  	[sflag:s23] =	ssyncset.done $0x0  }
0xa4: {  	s25 =	simm.s32 $0x1B8E;
	s24 =	sld [smem:$0x3FFE];
	[sflag:s23] =	ssyncadd.s32 $0xFFFFFFFF  }
0xa5: {  	s26 =	simm.s32 $execute0_lowered;
	[smem:$0x3FD2] =	sst s25  }
0xa6: {  	s5 =	sshll.u32 s26, $0x1;
	_ =	strace $0x80000046;
	[dreg:$0x1] =	wrdreg $0xFFFFFFFF  }
0xa7: {  	s28 =	simm.s32 $_size_execute0_lowered;
	s3 =	sadd.s32 s3, s5;
	[dreg:$0x0] =	wrdreg $0x0  }
0xa8: {  	s5 =	sshll.u32 s28, $0x1;
	[dreg:$0x2] =	wrdreg s3  }
0xa9: {  	[dreg:$0x3] =	wrdreg s5  }
0xaa: {  	[dreg:$0x4] =	wrdreg $0xC0  }
0xab: {  	_ =	task [dreg:s7], $0x5FFFF  }
0xac: {  	[dreg:$0x1] =	wrdreg $0xFFFFFFFF  }
0xad: {  	[dreg:$0x0] =	wrdreg $0x60  }
0xae: {  	[dreg:$0x2] =	wrdreg s2  }
0xaf: {  	[dreg:$0x3] =	wrdreg s24  }
0xb0: {  	[dreg:$0x4] =	wrdreg $0x9  }
0xb1: {  	_ =	task.clear_ibuf [dreg:s7], $0x5FFFF;
	_ =	strace $0x90000046  }
0xb2: {  	s29 =	simm.s32 $0x9;
	_ =	strace $0x80000048  }
0xb3: {  	_ =	swait.ge [sflag:s29], $0x1  }
0xb4: {  	[sflag:s29] =	ssyncadd.s32 $0xFFFFFFFF  }
0xb5: {  	_ =	strace $0x90000048  }
0xb6: {  	_ =	sfence  }
0xb7: {  	s30 =	sld [smem:$0x0];
	_ =	sdelay $0x2  }
0xb8: {  	s31 =	sshll.u32 s1, $0xD;
	s1 =	sshrl.u32 s1, $0x2  }
0xb9: {  	s3 =	sand.u32 $0x4000, s31;
	s1 =	sadd.s32 s1, s30  }
0xba: {  	s0 =	sor.u32 s3, s0;
	s1 =	sshll.u32 s1, $0x11  }
0xbb: {  	s0 =	sor.u32 s1, s0  }
0xbc: {  	s0 =	sadd.s32 $0x8F2B, s0  }
0xbd: {  	[sflag:s0] =	ssyncadd.remote.s32 $0x1  }
0xbe: {  	_ =	sfence.sel $0xFFFF  }
0xbf: {  	[dreg:$0x0] =	wrdreg $0xFFFFFFFF;
	(pc) =	sbr.abs _section_cstart, $3  }
0xc0: {  	[dreg:$0x1] =	wrdreg $0xFFFFFFFF  }
0xc1: {  	_ =	task.clear_ibuf [dreg:s7], $0x2FFFF;
	_ =	strace $0x9FFFFFFF  }
0xc2: {  	(tm) =	ssettm $0x7FFFFFFF  }
0xc3: {  	_ =	shalt  }
tec
execute0_lowered:
.L_overlay_start_1:
0x0: {  	(tag) =	ssettag $0x1  }
0x1: {  	v0 =	vimm.f32 $0.0e+00  }
0x2: {  	v1 =	vimm.s32 $0x2380;
	vm11 =	vcmask $0x300;
	v2 =	vimm.s32 $0x8180  }
0x3: {  	vm12 =	vcmask $0x704;
	vm13 =	vcmask $0xB08;
	vm14 =	vcmask $0xF0C  }
0x4: {  	vm10 =	vcmask $0x1310;
	vm9 =	vcmask $0x1714;
	vm8 =	vcmask $0x1B18  }
0x5: {  	vm7 =	vcmask $0x1F1C;
	vm6 =	vcmask $0x2320;
	vm5 =	vcmask $0x2724  }
0x6: {  	vm4 =	vcmask $0x2B28;
	vm3 =	vcmask $0x2F2C;
	vm2 =	vcmask $0x3330  }
0x7: {  	vm1 =	vcmask $0x3734;
	vm0 =	vcmask $0x3B38;
	v4 =	vimm.s32 $0xC380  }
0x8: {  	v5 =	vimm.s32 $0x12180;
	v6 =	vimm.s32 $0x16180;
	v1 =	vsel vm11, $0x0, v1  }
0x9: {  	v2 =	vsel vm11, $0x4000, v2;
	v4 =	vsel vm11, $0x8200, v4;
	v5 =	vsel vm11, $0xE000, v5  }
0xa: {  	v6 =	vsel vm11, $0x12200, v6;
	v1 =	vsel vm12, $0x80, v1;
	v2 =	vsel vm12, $0x4080, v2  }
0xb: {  	v4 =	vsel vm12, $0x8280, v4;
	v5 =	vsel vm12, $0xE080, v5;
	v6 =	vsel vm12, $0x12280, v6  }
0xc: {  	v1 =	vsel vm13, $0x100, v1;
	v2 =	vsel vm13, $0x4100, v2;
	v4 =	vsel vm13, $0x8300, v4  }
0xd: {  	v5 =	vsel vm13, $0xE100, v5;
	v6 =	vsel vm13, $0x12300, v6;
	v1 =	vsel vm14, $0x180, v1  }
0xe: {  	v2 =	vsel vm14, $0x4180, v2;
	v4 =	vsel vm14, $0x8380, v4;
	v5 =	vsel vm14, $0xE180, v5  }
0xf: {  	v6 =	vsel vm14, $0x12380, v6;
	v1 =	vsel vm10, $0x200, v1;
	v2 =	vsel vm10, $0x6000, v2  }
0x10: {  	v4 =	vsel vm10, $0xA000, v4;
	v5 =	vsel vm10, $0xE200, v5;
	v6 =	vsel vm10, $0x14000, v6  }
0x11: {  	v1 =	vsel vm9, $0x280, v1;
	v2 =	vsel vm9, $0x6080, v2;
	v4 =	vsel vm9, $0xA080, v4  }
0x12: {  	v5 =	vsel vm9, $0xE280, v5;
	v6 =	vsel vm9, $0x14080, v6;
	v1 =	vsel vm8, $0x300, v1  }
0x13: {  	v2 =	vsel vm8, $0x6100, v2;
	v4 =	vsel vm8, $0xA100, v4;
	v5 =	vsel vm8, $0xE300, v5  }
0x14: {  	v6 =	vsel vm8, $0x14100, v6;
	v1 =	vsel vm7, $0x380, v1;
	v2 =	vsel vm7, $0x6180, v2  }
0x15: {  	v4 =	vsel vm7, $0xA180, v4;
	v5 =	vsel vm7, $0xE380, v5;
	v6 =	vsel vm7, $0x14180, v6  }
0x16: {  	v1 =	vsel vm6, $0x2000, v1;
	v2 =	vsel vm6, $0x6200, v2;
	v4 =	vsel vm6, $0xC000, v4  }
0x17: {  	v5 =	vsel vm6, $0x10000, v5;
	v6 =	vsel vm6, $0x14200, v6;
	v1 =	vsel vm5, $0x2080, v1  }
0x18: {  	s3 =	rddreg [dreg:$0x0];
	v2 =	vsel vm5, $0x6280, v2;
	v4 =	vsel vm5, $0xC080, v4;
	v5 =	vsel vm5, $0x10080, v5  }
0x19: {  	s4 =	rddreg [dreg:$0x1];
	v6 =	vsel vm5, $0x14280, v6;
	v1 =	vsel vm4, $0x2100, v1;
	v2 =	vsel vm4, $0x6300, v2  }
0x1a: {  	s0 =	rddreg [dreg:$0x2];
	s1 =	simm.s32 $0x0;
	s2 =	stileid.u32;
	v4 =	vsel vm4, $0xC100, v4;
	v5 =	vsel vm4, $0x10100, v5;
	v6 =	vsel vm4, $0x14300, v6  }
0x1b: {  	s5 =	srdreg.scid;
	[smem:$0x7FF] =	sst s1;
	v1 =	vsel vm3, $0x2180, v1;
	v2 =	vsel vm3, $0x6380, v2;
	v4 =	vsel vm3, $0xC180, v4  }
0x1c: {  	s6 =	smul.u32 $0xC0000, s2;
	s5 =	sand.u32 $0x1, s5;
	s7 =	sshll.u32 s2, $0x1;
	v5 =	vsel vm3, $0x10180, v5;
	v6 =	vsel vm3, $0x14380, v6;
	v1 =	vsel vm2, $0x2200, v1  }
0x1d: {  	s8 =	ssub.s32 $0x2, s5;
	s7 =	sor.u32 s5, s7;
	s5 =	smul.u32 $0x60000, s5;
	v2 =	vsel vm2, $0x8000, v2;
	v4 =	vsel vm2, $0xC200, v4;
	v5 =	vsel vm2, $0x12000, v5  }
0x1e: {  	s4 =	sadd.s32 s6, s4;
	s31 =	sshrl.u32 s8, $0x1;
	s7 =	smul.u32 $0x140, s7;
	v6 =	vsel vm2, $0x16000, v6;
	v1 =	vsel vm1, $0x2280, v1;
	v3 =	vsel vm1, $0x8080, v2  }
0x1f: {  	_ =	strace $0x80000047;
	s6 =	ssub.s32 s8, s31;
	s5 =	sadd.s32 s5, s4;
	v2 =	vimm.f32 $1.000000000e+00;
	v4 =	vsel vm1, $0xC280, v4;
	v5 =	vsel vm1, $0x12080, v5  }
0x20: {  	s8 =	simm.s32 $0x0;
	s3 =	sadd.s32 s3, s7;
	s4 =	smax.u32 s6, $0x1;
	v6 =	vsel vm1, $0x16080, v6;
	v1 =	vsel vm0, $0x2300, v1;
	v3 =	vsel vm0, $0x8100, v3  }
0x21: {  	s5 =	sadd.s32 $0x400, s5;
	s6 =	simm.s32 $0x1;
	s7 =	simm.s32 $0xA00;
	v4 =	vsel vm0, $0xC300, v4;
	v5 =	vsel vm0, $0x12100, v5;
	v6 =	vsel vm0, $0x16100, v6  }
.LBB2_1:
0x22: {  	s9 =	smul.u32 $0xCD, s1;
	_ =	sdelay $0x1  }
0x23: {  	s9 =	sshrl.u32 s9, $0xC  }
0x24: {  	s9 =	sand.u32 $0xF, s9  }
0x25: {  	s10 =	smul.u32 $0x14, s9  }
0x26: {  	[tilespmem:s1], [sflag:$0x1] =	stream.linear.gather [hbm4b:s3+s1], $0xA00, $0x38;
	[tilespmem:$0x18A00] =	vst v63  }
0x27: {  	s9 =	smul.u32 $0x18000, s9;
	s10 =	ssub.s32 $0x0, s10  }
0x28: {  	_ =	swait.ge [sflag:s6], $0xA00;
	s11 =	sshll.u32 s10, $0xA  }
0x29: {  	s9 =	sshrl.u32 s9, $0x2;
	s10 =	sshll.u32 s10, $0x7;
	s11 =	sand.u32 $0x6000, s11  }
0x2a: {  	[sflag:s6] =	ssyncset.done $0x0;
	s10 =	sand.u32 $0x380, s10;
	s9 =	sadd.s32 s11, s9  }
0x2b: {  	[sflag:s6] =	ssyncadd.s32 $0xFFFFF600;
	s9 =	sor.u32 s9, s10  }
0x2c: {  	[tilespmem:s9+$0x2650] =	vst v0  }
0x2d: {  	[tilespmem:s9+$0xA00] =	vst v0  }
0x2e: {  	[tilespmem:s9+$0xA10] =	vst v0  }
0x2f: {  	[tilespmem:s9+$0xA20] =	vst v0  }
0x30: {  	[tilespmem:s9+$0xA30] =	vst v0  }
0x31: {  	[tilespmem:s9+$0xA40] =	vst v0  }
0x32: {  	[tilespmem:s9+$0xA50] =	vst v0  }
0x33: {  	[tilespmem:s9+$0xA60] =	vst v0  }
0x34: {  	[tilespmem:s9+$0xA70] =	vst v0  }
0x35: {  	[tilespmem:s9+$0xE00] =	vst v0  }
0x36: {  	[tilespmem:s9+$0xE10] =	vst v0  }
0x37: {  	[tilespmem:s9+$0xE20] =	vst v0  }
0x38: {  	[tilespmem:s9+$0xE30] =	vst v0  }
0x39: {  	[tilespmem:s9+$0xE40] =	vst v0  }
0x3a: {  	[tilespmem:s9+$0xE50] =	vst v0  }
0x3b: {  	[tilespmem:s9+$0xE60] =	vst v0  }
0x3c: {  	[tilespmem:s9+$0xE70] =	vst v0  }
0x3d: {  	[tilespmem:s9+$0x1200] =	vst v0  }
0x3e: {  	[tilespmem:s9+$0x1210] =	vst v0  }
0x3f: {  	[tilespmem:s9+$0x1220] =	vst v0  }
0x40: {  	[tilespmem:s9+$0x1230] =	vst v0  }
0x41: {  	[tilespmem:s9+$0x1240] =	vst v0  }
0x42: {  	[tilespmem:s9+$0x1250] =	vst v0  }
0x43: {  	[tilespmem:s9+$0x1260] =	vst v0  }
0x44: {  	[tilespmem:s9+$0x1270] =	vst v0  }
0x45: {  	[tilespmem:s9+$0x1600] =	vst v0  }
0x46: {  	[tilespmem:s9+$0x1610] =	vst v0  }
0x47: {  	[tilespmem:s9+$0x1620] =	vst v0  }
0x48: {  	[tilespmem:s9+$0x1630] =	vst v0  }
0x49: {  	[tilespmem:s9+$0x1640] =	vst v0  }
0x4a: {  	[tilespmem:s9+$0x1650] =	vst v0  }
0x4b: {  	[tilespmem:s9+$0x1660] =	vst v0  }
0x4c: {  	[tilespmem:s9+$0x1670] =	vst v0  }
0x4d: {  	[tilespmem:s9+$0x1A00] =	vst v0  }
0x4e: {  	[tilespmem:s9+$0x1A10] =	vst v0  }
0x4f: {  	[tilespmem:s9+$0x1A20] =	vst v0  }
0x50: {  	[tilespmem:s9+$0x1A30] =	vst v0  }
0x51: {  	[tilespmem:s9+$0x1A40] =	vst v0  }
0x52: {  	[tilespmem:s9+$0x1A50] =	vst v0  }
0x53: {  	[tilespmem:s9+$0x1A60] =	vst v0  }
0x54: {  	[tilespmem:s9+$0x1A70] =	vst v0  }
0x55: {  	[tilespmem:s9+$0x1E00] =	vst v0  }
0x56: {  	[tilespmem:s9+$0x1E10] =	vst v0  }
0x57: {  	[tilespmem:s9+$0x1E20] =	vst v0  }
0x58: {  	[tilespmem:s9+$0x1E30] =	vst v0  }
0x59: {  	[tilespmem:s9+$0x1E40] =	vst v0  }
0x5a: {  	[tilespmem:s9+$0x1E50] =	vst v0  }
0x5b: {  	[tilespmem:s9+$0x1E60] =	vst v0  }
0x5c: {  	[tilespmem:s9+$0x1E70] =	vst v0  }
0x5d: {  	[tilespmem:s9+$0x2200] =	vst v0  }
0x5e: {  	[tilespmem:s9+$0x2210] =	vst v0  }
0x5f: {  	s10 =	simm.s32 $0x1;
	[tilespmem:s9+$0x2220] =	vst v0  }
0x60: {  	s12 =	smul.u32 $0xCD, s10;
	[tilespmem:s9+$0x2230] =	vst v0  }
0x61: {  	s11 =	simm.s32 $0x2;
	[tilespmem:s9+$0x2658] =	vst v0  }
.LBB2_2:
0x62: {  	p0 =	sne.s32 s11, $0x4F;
	s12 =	sshrl.u32 s12, $0xC;
	[tilespmem:s9+$0x2240] =	vst v0  }
0x63: {  	s12 =	sand.u32 $0xF, s12;
	[tilespmem:s9+$0x2250] =	vst v0  }
0x64: {  	s13 =	smul.u32 $0x14, s12;
	[tilespmem:s9+$0x2260] =	vst v0  }
0x65: {  	[tilespmem:s9+$0x2270] =	vst v0  }
0x66: {  	s12 =	smul.u32 $0x18000, s12;
	s13 =	ssub.s32 s10, s13;
	[tilespmem:s9+$0x2600] =	vst v0;
	s10 =	smov.u32 s11  }
0x67: {  	s14 =	sshll.u32 s13, $0xA;
	[tilespmem:s9+$0x2610] =	vst v0  }
0x68: {  	s12 =	sshrl.u32 s12, $0x2;
	s13 =	sshll.u32 s13, $0x7;
	s14 =	sand.u32 $0x6000, s14;
	[tilespmem:s9+$0x2620] =	vst v0  }
0x69: {  	s13 =	sand.u32 $0x380, s13;
	s12 =	sadd.s32 s14, s12;
	[tilespmem:s9+$0x2630] =	vst v0  }
0x6a: {  	[tilespmem:s9+$0x2640] =	vst v0;
	s9 =	sor.u32 s12, s13  }
0x6b: {  	[tilespmem:s9+$0x2650] =	vst v0  }
0x6c: {  	[tilespmem:s9+$0x2658] =	vst v0  }
0x6d: {  	[tilespmem:s9+$0xA00] =	vst v0  }
0x6e: {  	[tilespmem:s9+$0xA10] =	vst v0  }
0x6f: {  	[tilespmem:s9+$0xA20] =	vst v0  }
0x70: {  	[tilespmem:s9+$0xA30] =	vst v0  }
0x71: {  	[tilespmem:s9+$0xA40] =	vst v0  }
0x72: {  	[tilespmem:s9+$0xA50] =	vst v0  }
0x73: {  	[tilespmem:s9+$0xA60] =	vst v0  }
0x74: {  	[tilespmem:s9+$0xA70] =	vst v0  }
0x75: {  	[tilespmem:s9+$0xE00] =	vst v0  }
0x76: {  	[tilespmem:s9+$0xE10] =	vst v0  }
0x77: {  	[tilespmem:s9+$0xE20] =	vst v0  }
0x78: {  	[tilespmem:s9+$0xE30] =	vst v0  }
0x79: {  	[tilespmem:s9+$0xE40] =	vst v0  }
0x7a: {  	[tilespmem:s9+$0xE50] =	vst v0  }
0x7b: {  	[tilespmem:s9+$0xE60] =	vst v0  }
0x7c: {  	[tilespmem:s9+$0xE70] =	vst v0  }
0x7d: {  	[tilespmem:s9+$0x1200] =	vst v0  }
0x7e: {  	[tilespmem:s9+$0x1210] =	vst v0  }
0x7f: {  	[tilespmem:s9+$0x1220] =	vst v0  }
0x80: {  	[tilespmem:s9+$0x1230] =	vst v0  }
0x81: {  	[tilespmem:s9+$0x1240] =	vst v0  }
0x82: {  	[tilespmem:s9+$0x1250] =	vst v0  }
0x83: {  	[tilespmem:s9+$0x1260] =	vst v0  }
0x84: {  	[tilespmem:s9+$0x1270] =	vst v0  }
0x85: {  	[tilespmem:s9+$0x1600] =	vst v0  }
0x86: {  	[tilespmem:s9+$0x1610] =	vst v0  }
0x87: {  	[tilespmem:s9+$0x1620] =	vst v0  }
0x88: {  	[tilespmem:s9+$0x1630] =	vst v0  }
0x89: {  	[tilespmem:s9+$0x1640] =	vst v0  }
0x8a: {  	[tilespmem:s9+$0x1650] =	vst v0  }
0x8b: {  	[tilespmem:s9+$0x1660] =	vst v0  }
0x8c: {  	[tilespmem:s9+$0x1670] =	vst v0  }
0x8d: {  	[tilespmem:s9+$0x1A00] =	vst v0  }
0x8e: {  	[tilespmem:s9+$0x1A10] =	vst v0  }
0x8f: {  	[tilespmem:s9+$0x1A20] =	vst v0  }
0x90: {  	[tilespmem:s9+$0x1A30] =	vst v0  }
0x91: {  	[tilespmem:s9+$0x1A40] =	vst v0  }
0x92: {  	[tilespmem:s9+$0x1A50] =	vst v0  }
0x93: {  	[tilespmem:s9+$0x1A60] =	vst v0  }
0x94: {  	[tilespmem:s9+$0x1A70] =	vst v0  }
0x95: {  	[tilespmem:s9+$0x1E00] =	vst v0  }
0x96: {  	[tilespmem:s9+$0x1E10] =	vst v0  }
0x97: {  	[tilespmem:s9+$0x1E20] =	vst v0  }
0x98: {  	[tilespmem:s9+$0x1E30] =	vst v0  }
0x99: {  	[tilespmem:s9+$0x1E40] =	vst v0  }
0x9a: {  	[tilespmem:s9+$0x1E50] =	vst v0  }
0x9b: {  	[tilespmem:s9+$0x1E60] =	vst v0  }
.Ltmp0:
0x9c: {  	[tilespmem:s9+$0x1E70] =	vst v0;
	(pc) =	sbr.rel @p0 .LBB2_2-.Ltmp0, $4  }
0x9d: {  	[tilespmem:s9+$0x2200] =	vst v0  }
0x9e: {  	[tilespmem:s9+$0x2210] =	vst v0  }
0x9f: {  	s12 =	smul.u32 $0xCD, s11;
	[tilespmem:s9+$0x2220] =	vst v0  }
0xa0: {  	s11 =	sadd.s32 $0x1, s11;
	[tilespmem:s9+$0x2230] =	vst v0  }
0xa1: {  	s11 =	sshrl.u32 s12, $0xC;
	[tilespmem:s9+$0x2240] =	vst v0  }
0xa2: {  	[tilespmem:s9+$0x2250] =	vst v0;
	s11 =	sand.u32 $0xF, s11  }
0xa3: {  	[tilespmem:s9+$0x2260] =	vst v0;
	s31 =	smul.u32 $0x14, s11  }
0xa4: {  	[tilespmem:s9+$0x2270] =	vst v0  }
0xa5: {  	[tilespmem:s9+$0x2600] =	vst v0;
	s11 =	smul.u32 $0x18000, s11;
	s10 =	ssub.s32 s10, s31  }
0xa6: {  	[tilespmem:s9+$0x2610] =	vst v0;
	s12 =	sshll.u32 s10, $0xA  }
0xa7: {  	[tilespmem:s9+$0x2620] =	vst v0;
	s11 =	sshrl.u32 s11, $0x2;
	s10 =	sshll.u32 s10, $0x7;
	s12 =	sand.u32 $0x6000, s12  }
0xa8: {  	[tilespmem:s9+$0x2630] =	vst v0;
	s10 =	sand.u32 $0x380, s10;
	s11 =	sadd.s32 s12, s11  }
0xa9: {  	[tilespmem:s9+$0x2640] =	vst v0;
	s10 =	sor.u32 s11, s10  }
0xaa: {  	[tilespmem:s10+$0x2650] =	vst v0  }
0xab: {  	[tilespmem:s10+$0xA00] =	vst v0  }
0xac: {  	[tilespmem:s10+$0xA10] =	vst v0  }
0xad: {  	[tilespmem:s10+$0xA20] =	vst v0  }
0xae: {  	[tilespmem:s10+$0xA30] =	vst v0  }
0xaf: {  	[tilespmem:s10+$0xA40] =	vst v0  }
0xb0: {  	[tilespmem:s10+$0xA50] =	vst v0  }
0xb1: {  	[tilespmem:s10+$0xA60] =	vst v0  }
0xb2: {  	[tilespmem:s10+$0xA70] =	vst v0  }
0xb3: {  	[tilespmem:s10+$0xE00] =	vst v0  }
0xb4: {  	[tilespmem:s10+$0xE10] =	vst v0  }
0xb5: {  	[tilespmem:s10+$0xE20] =	vst v0  }
0xb6: {  	[tilespmem:s10+$0xE30] =	vst v0  }
0xb7: {  	[tilespmem:s10+$0xE40] =	vst v0  }
0xb8: {  	[tilespmem:s10+$0xE50] =	vst v0  }
0xb9: {  	[tilespmem:s10+$0xE60] =	vst v0  }
0xba: {  	[tilespmem:s10+$0xE70] =	vst v0  }
0xbb: {  	[tilespmem:s10+$0x1200] =	vst v0  }
0xbc: {  	[tilespmem:s10+$0x1210] =	vst v0  }
0xbd: {  	[tilespmem:s10+$0x1220] =	vst v0  }
0xbe: {  	[tilespmem:s10+$0x1230] =	vst v0  }
0xbf: {  	[tilespmem:s10+$0x1240] =	vst v0  }
0xc0: {  	[tilespmem:s10+$0x1250] =	vst v0  }
0xc1: {  	[tilespmem:s10+$0x1260] =	vst v0  }
0xc2: {  	[tilespmem:s10+$0x1270] =	vst v0  }
0xc3: {  	[tilespmem:s10+$0x1600] =	vst v0  }
0xc4: {  	[tilespmem:s10+$0x1610] =	vst v0  }
0xc5: {  	[tilespmem:s10+$0x1620] =	vst v0  }
0xc6: {  	[tilespmem:s10+$0x1630] =	vst v0  }
0xc7: {  	[tilespmem:s10+$0x1640] =	vst v0  }
0xc8: {  	[tilespmem:s10+$0x1650] =	vst v0  }
0xc9: {  	[tilespmem:s10+$0x1660] =	vst v0  }
0xca: {  	[tilespmem:s10+$0x1670] =	vst v0  }
0xcb: {  	[tilespmem:s10+$0x1A00] =	vst v0  }
0xcc: {  	[tilespmem:s10+$0x1A10] =	vst v0  }
0xcd: {  	[tilespmem:s10+$0x1A20] =	vst v0  }
0xce: {  	[tilespmem:s10+$0x1A30] =	vst v0  }
0xcf: {  	[tilespmem:s10+$0x1A40] =	vst v0  }
0xd0: {  	[tilespmem:s10+$0x1A50] =	vst v0  }
0xd1: {  	[tilespmem:s10+$0x1A60] =	vst v0  }
0xd2: {  	[tilespmem:s10+$0x1A70] =	vst v0  }
0xd3: {  	[tilespmem:s10+$0x1E00] =	vst v0  }
0xd4: {  	[tilespmem:s10+$0x1E10] =	vst v0  }
0xd5: {  	[tilespmem:s10+$0x1E20] =	vst v0  }
0xd6: {  	[tilespmem:s10+$0x1E30] =	vst v0  }
0xd7: {  	[tilespmem:s10+$0x1E40] =	vst v0  }
0xd8: {  	[tilespmem:s10+$0x1E50] =	vst v0  }
0xd9: {  	[tilespmem:s10+$0x1E60] =	vst v0  }
0xda: {  	[tilespmem:s10+$0x1E70] =	vst v0  }
0xdb: {  	[tilespmem:s10+$0x2200] =	vst v0  }
0xdc: {  	[tilespmem:s10+$0x2210] =	vst v0  }
0xdd: {  	[tilespmem:s10+$0x2220] =	vst v0  }
0xde: {  	[tilespmem:s10+$0x2230] =	vst v0  }
0xdf: {  	[tilespmem:s10+$0x2240] =	vst v0  }
0xe0: {  	[tilespmem:s10+$0x2250] =	vst v0  }
0xe1: {  	[tilespmem:s10+$0x2260] =	vst v0  }
0xe2: {  	[tilespmem:s10+$0x2270] =	vst v0  }
0xe3: {  	[tilespmem:s10+$0x2600] =	vst v0  }
0xe4: {  	[tilespmem:s10+$0x2610] =	vst v0  }
0xe5: {  	[tilespmem:s10+$0x2620] =	vst v0  }
0xe6: {  	[tilespmem:s10+$0x2630] =	vst v0  }
0xe7: {  	[tilespmem:s10+$0x2640] =	vst v0  }
0xe8: {  	s9 =	simm.s32 $0x0;
	[tilespmem:s10+$0x2658] =	vst v0;
	s10 =	simm.s32 $0x20  }
.LBB2_4:
0xe9: {  	v7 =	vld [tilespmem:s10+$0xFFFFFFE0];
	_ =	sdelay $0x4  }
0xea: {  	v8 =	vshll.u32 v7, $0x3  }
0xeb: {  	v7 =	vand.u32 $0x7F, v7;
	v8 =	vand.u32 $0xFFFFFC00, v8  }
0xec: {  	v7 =	vor.u32 v7, v8  }
0xed: {  	v7 =	vadd.s32 v1, v7;
	_ =	sdelay $0x4  }
0xee: {  	[tilespmem:v7+s7+$0x0] =	vst.idx.msk $0xffff, v2  }
0xef: {  	v8 =	vld [tilespmem:s10+$0xFFFFFFF0];
	_ =	sdelay $0x4  }
0xf0: {  	v9 =	vshll.u32 v8, $0x3  }
0xf1: {  	v8 =	vand.u32 $0x7F, v8;
	v9 =	vand.u32 $0xFFFFFC00, v9  }
0xf2: {  	v8 =	vor.u32 v8, v9  }
0xf3: {  	v8 =	vadd.s32 v3, v8;
	_ =	sdelay $0x4  }
0xf4: {  	[tilespmem:v8+s7+$0x0] =	vst.idx.msk $0xffff, v2  }
0xf5: {  	v61 =	vld [tilespmem:s10+$0x0];
	_ =	sdelay $0x4  }
0xf6: {  	v10 =	vshll.u32 v61, $0x3  }
0xf7: {  	v9 =	vand.u32 $0x7F, v61;
	v10 =	vand.u32 $0xFFFFFC00, v10  }
0xf8: {  	v9 =	vor.u32 v9, v10  }
0xf9: {  	v9 =	vadd.s32 v4, v9;
	_ =	sdelay $0x4  }
0xfa: {  	[tilespmem:v9+s7+$0x0] =	vst.idx.msk $0xffff, v2  }
0xfb: {  	v62 =	vld [tilespmem:s10+$0x10];
	_ =	sdelay $0x4  }
0xfc: {  	v11 =	vshll.u32 v62, $0x3  }
0xfd: {  	v10 =	vand.u32 $0x7F, v62;
	v11 =	vand.u32 $0xFFFFFC00, v11  }
0xfe: {  	v10 =	vor.u32 v10, v11  }
0xff: {  	v10 =	vadd.s32 v5, v10;
	_ =	sdelay $0x4  }
0x100: {  	[tilespmem:v10+s7+$0x0] =	vst.idx.msk $0xffff, v2  }
0x101: {  	v63 =	vld [tilespmem:s10+$0x20];
	_ =	sdelay $0x4  }
0x102: {  	v12 =	vshll.u32 v63, $0x3  }
0x103: {  	v11 =	vand.u32 $0x7F, v63;
	v12 =	vand.u32 $0xFFFFFC00, v12  }
0x104: {  	v11 =	vor.u32 v11, v12  }
0x105: {  	v11 =	vadd.s32 v6, v11;
	_ =	sdelay $0x4  }
0x106: {  	s11 =	sadd.s32 s9, s5;
	[tilespmem:v11+s7+$0x0] =	vst.idx.msk $0xffff, v2  }
0x107: {  	[hbm4b:s11+s1] =	stream.linear.scatter [tilespmem:s7], [sflag:$0x1], $0x18000, $0x38;
	[tilespmem:$0x18A00] =	vst v63  }
0x108: {  	_ =	swait.ge [sflag:s6], $0x18000  }
0x109: {  	[sflag:s6] =	ssyncset.done $0x0  }
0x10a: {  	p0 =	sne.s32 s9, $0x5D000;
	[sflag:s6] =	ssyncadd.s32 $0xFFFE8000  }
.Ltmp1:
0x10b: {  	[tilespmem:v7+s7+$0x0] =	vst.idx.msk $0xffff, v0;
	(pc) =	sbr.rel @p0 .LBB2_4-.Ltmp1, $4  }
0x10c: {  	[tilespmem:v8+s7+$0x0] =	vst.idx.msk $0xffff, v0  }
0x10d: {  	[tilespmem:v9+s7+$0x0] =	vst.idx.msk $0xffff, v0  }
0x10e: {  	[tilespmem:v10+s7+$0x0] =	vst.idx.msk $0xffff, v0  }
0x10f: {  	s9 =	sadd.s32 $0x3000, s9;
	s10 =	sadd.s32 $0x50, s10;
	[tilespmem:v11+s7+$0x0] =	vst.idx.msk $0xffff, v0  }
0x110: {  	s8 =	sadd.s32 $0x1, s8  }
0x111: {  	p0 =	sne.s32 s8, s4  }
.Ltmp2:
0x112: {  	_ = 	snop;
	(pc) =	sbr.rel @p0 .LBB2_1-.Ltmp2, $1  }
0x113: {  	_ =	sdelay $0x3  }
0x114: {  	_ =	sfence.sel $0x180000  }
0x115: {  	[bflag:$0x0] =	sbarrier.arrive $0xFFFF  }
0x116: {  	p0 =	sne.s32 s2, $0x0;
	_ =	strace $0x90000047  }
0x117: {  	s0 =	sadd.s32 @!p0 $0x100000, s0;
	[bflag:$0x2] =	sbarrier.arrive $0xFFFF  }
0x118: {  	[sflag:s0] =	ssyncadd.tile.s32 @!p0 $0x1;
	_ =	shalt  }
.Lfunc_end2:
_tile_overlayer_lowered:
.L_overlay_start_2:
0x119: {  	(tag) =	ssettag $0x2  }
0x11a: {  	s0 =	rddreg [dreg:$0x0];
	s2 =	stileid.u32  }
0x11b: {  	s1 =	rddreg [dreg:$0x1];
	p0 =	sne.s32 s2, $0x0  }
0x11c: {  	s3 =	rddreg [dreg:$0x2];
	[bflag:$0x3] =	sbarrier.arrive $0xFFFF;
	s2 =	simm.s32 @!p0 $0x1C01  }
0x11d: {  	[timem:s3], [sflag:s2] =	dma.local @!p0 [hbm:s0], s1  }
0x11e: {  	s0 =	simm.s32 @!p0 $0x1  }
0x11f: {  	_ =	swait.ge @!p0 [sflag:s0], s1  }
0x120: {  	s1 =	ssub.s32 @!p0 $0x0, s1;
	[sflag:s0] =	ssyncset.done @!p0 $0x0  }
0x121: {  	[sflag:s0] =	ssyncadd.s32 @!p0 s1  }
0x122: {  	[bflag:$0x3] =	sbarrier.arrive $0xFFFF  }
0x123: {  	_ =	shalt  }

</sc_bundles>
